<compile_context>
chip_gen: v7x
topology: tpu7x:2x2x1
jax: 0.10.2.dev20260603
libtpu: 0.0.44.dev20260713+nightly
codegen_flags: <defaults>
</compile_context>

<pallas_src>
import jax
import jax.numpy as jnp
from jax import lax
from jax.experimental import pallas as pl
from jax.experimental.pallas import tpu as pltpu
from jax.experimental.pallas import tpu_sc as plsc

B = 16384
F = 26
V = 100000
NNUM = 13
H = 128
OUT = 2

NC = 2
NS = 16
NW = NC * NS
FH = F // 2
N_WORDS = B * 2 * FH
W_PER_T = N_WORDS // NW
CH = 128
NCH = W_PER_T // CH


def _gather_body(table_hbm, idx_hbm, out_hbm, idx_v, rows_v, sem, sem_out, sem_idx):
    wid = lax.axis_index("s") * NC + lax.axis_index("c")

    def fire_idx(j, _):
        pltpu.async_copy(idx_hbm.at[wid].at[j], idx_v.at[j], sem_idx)
        return 0

    def fire(j, _):
        pltpu.make_async_copy(idx_hbm.at[wid].at[j], idx_v.at[j], sem_idx).wait()
        pltpu.async_copy(table_hbm.at[idx_v.at[j]], rows_v.at[j], sem)
        return 0

    def drain_and_store(j, _):
        pltpu.make_async_copy(table_hbm.at[idx_v.at[j]], rows_v.at[j], sem).wait()
        pltpu.async_copy(rows_v.at[j], out_hbm.at[wid].at[j], sem_out)
        return 0

    def drain_out(j, _):
        pltpu.make_async_copy(rows_v.at[j], out_hbm.at[wid].at[j], sem_out).wait()
        return 0

    lax.fori_loop(0, NCH, fire_idx, 0)
    lax.fori_loop(0, NCH, fire, 0)
    lax.fori_loop(0, NCH, drain_and_store, 0)
    lax.fori_loop(0, NCH, drain_out, 0)


def _sc_gather(table_1d, idx3):
    mesh = plsc.VectorSubcoreMesh(core_axis_name="c", subcore_axis_name="s")
    run = pl.kernel(
        _gather_body,
        out_type=jax.ShapeDtypeStruct((NW, NCH, CH), jnp.float32),
        mesh=mesh,
        scratch_types=[
            pltpu.VMEM((NCH, CH), jnp.int32),
            pltpu.VMEM((NCH, CH), jnp.float32),
            pltpu.SemaphoreType.DMA,
            pltpu.SemaphoreType.DMA,
            pltpu.SemaphoreType.DMA,
        ],
        compiler_params=pltpu.CompilerParams(use_tc_tiling_on_sc=False),
    )
    return run(table_1d, idx3)


BB = 8192


def _mlp_body(xn_ref, xa_ref, xb_ref, w1n_ref, w1a_ref, w1b_ref, b1_ref,
              w2_ref, b2_ref, o_ref):
    dn = (((0,), (0,)), ((), ()))
    h = lax.dot_general(xn_ref[...], w1n_ref[...], dn,
                        preferred_element_type=jnp.float32)
    h = h + lax.dot_general(xa_ref[...], w1a_ref[...], dn,
                            preferred_element_type=jnp.float32)
    h = h + lax.dot_general(xb_ref[...], w1b_ref[...], dn,
                            preferred_element_type=jnp.float32)
    h = jnp.maximum(h + b1_ref[...], 0.0)
    yt = lax.dot_general(w2_ref[...], h, (((0,), (1,)), ((), ())),
                         preferred_element_type=jnp.float32) + b2_ref[...]
    row = lax.broadcasted_iota(jnp.int32, yt.shape, 0)
    o_ref[...] = jnp.where(row == 0, yt, jnp.maximum(yt, 0.0) + 0.025)


def _tc_mlp(x_num, xe_a, xe_b, W1, b1, W2, b2):
    w1n = W1[:NNUM]
    w1a = W1[NNUM:NNUM + F]
    w1b = W1[NNUM + F:]
    grid = (B // BB,)
    return pl.pallas_call(
        _mlp_body,
        grid=grid,
        in_specs=[
            pl.BlockSpec((NNUM, BB), lambda i: (0, i)),
            pl.BlockSpec((F, BB), lambda i: (0, i)),
            pl.BlockSpec((F, BB), lambda i: (0, i)),
            pl.BlockSpec((NNUM, H), lambda i: (0, 0)),
            pl.BlockSpec((F, H), lambda i: (0, 0)),
            pl.BlockSpec((F, H), lambda i: (0, 0)),
            pl.BlockSpec((1, H), lambda i: (0, 0)),
            pl.BlockSpec((H, OUT), lambda i: (0, 0)),
            pl.BlockSpec((OUT, 1), lambda i: (0, 0)),
        ],
        out_specs=pl.BlockSpec((OUT, BB), lambda i: (0, i)),
        out_shape=jax.ShapeDtypeStruct((OUT, B), jnp.float32),
    )(x_num.T, xe_a, xe_b, w1n, w1a, w1b, b1.reshape(1, H), W2,
      b2.reshape(OUT, 1)).T


def kernel(x_num, x_cat, tables, W1, b1, W2, b2):
    cols = jnp.arange(2 * F, dtype=jnp.int32)
    idxT = jnp.take(x_cat.T, cols // 2, axis=0) + (cols % (2 * FH))[:, None] * V
    idx_a = idxT[:2 * FH].reshape(NW, NCH, CH)
    idx_b = idxT[2 * FH:].reshape(NW, NCH, CH)
    t_a = tables[:FH].transpose(0, 2, 1).reshape(FH * 2 * V)
    t_b = tables[FH:].transpose(0, 2, 1).reshape(FH * 2 * V)
    emb_a = _sc_gather(t_a, idx_a)
    emb_b = _sc_gather(t_b, idx_b)
    xe_a = emb_a.reshape(2 * FH, B)
    xe_b = emb_b.reshape(2 * FH, B)
    return _tc_mlp(x_num, xe_a, xe_b, W1, b1, W2, b2)

# --- scband reference (transcript-rebuilt; emitter-appended) ---
"""Pipeline reference for scband-nn2-76501957476893 (READ-ONLY COPY).

The authoritative reference and input builder live on the scoring server;
editing this copy changes nothing except your own understanding.
"""

import jax, jax.numpy as jnp
import numpy as np

B = 16384
F = 26
V = 100000
NNUM = 13
H = 128
OUT = 2


def setup_inputs(seed: int = 0) -> dict:
    key = jax.random.key(seed)
    ks = jax.random.split(key, 8)
    x_num = jax.random.normal(ks[0], (B, NNUM), dtype=jnp.float32)
    x_cat = jax.random.randint(ks[1], (B, F), 0, V, dtype=jnp.int32)
    # stacked embedding tables: 26 tables, each [V, 2]
    tables = jax.random.normal(ks[2], (F, V, 2), dtype=jnp.float32)
    W1 = jax.random.normal(ks[3], (NNUM + 2 * F, H), dtype=jnp.float32) * 0.05
    b1 = jnp.zeros((H,), dtype=jnp.float32)
    W2 = jax.random.normal(ks[4], (H, OUT), dtype=jnp.float32) * 0.05
    b2 = jnp.zeros((OUT,), dtype=jnp.float32)
    return {"x_num": x_num, "x_cat": x_cat, "tables": tables,
            "W1": W1, "b1": b1, "W2": W2, "b2": b2}


def reference(x_num, x_cat, tables, W1, b1, W2, b2):
    # per-field embedding lookup: tables[f][x_cat[:, f]] for each field f
    f_idx = jnp.arange(tables.shape[0])[None, :]           # [1, F]
    emb = tables[f_idx, x_cat]                              # [B, F, 2] gather
    x_cat_emb = emb.reshape(emb.shape[0], -1)               # torch.cat(x_cat, 1)
    x = jnp.concatenate([x_num, x_cat_emb], axis=1)         # [B, 65]
    x = x @ W1 + b1
    x = jax.nn.relu(x)
    x = x @ W2 + b2                                         # [B, 2]
    out0 = x[:, 0:1]
    out1 = jax.nn.relu(x[:, 1:2]) + 0.025
    return jnp.concatenate([out0, out1], axis=1)

if __name__ == "__main__":
    import jax
    _d = setup_inputs()
    print(jax.jit(kernel)(*tuple(_d.values())))

</pallas_src>

<mosaic_0001>
#map = affine_map<(d0, d1) -> (0)>
#map1 = affine_map<(d0, d1) -> (0, 0, 0)>
module attributes {stable_mosaic.version = 14 : i64} {
  func.func @_gather_body(%arg0: i32, %arg1: i32, %arg2: memref<2600000xf32, #tpu.memory_space<hbm>>, %arg3: memref<32x104x128xi32, #tpu.memory_space<hbm>>, %arg4: memref<32x104x128xf32, #tpu.memory_space<hbm>>, %arg5: memref<104x128xi32, #tpu.memory_space<vmem>>, %arg6: memref<104x128xf32, #tpu.memory_space<vmem>>, %arg7: memref<!tpu.dma_semaphore, #tpu.memory_space<semaphore_mem>>, %arg8: memref<!tpu.dma_semaphore, #tpu.memory_space<semaphore_mem>>, %arg9: memref<!tpu.dma_semaphore, #tpu.memory_space<semaphore_mem>>) attributes {dimension_semantics = [#tpu.dimension_semantics<core_parallel>, #tpu.dimension_semantics<subcore_parallel>], iteration_bounds = array<i64: 2, 16>, scalar_prefetch = 0 : i64, scratch_operands = 5 : i64, tpu.core_type = #tpu.core_type<sc_vector_subcore>, window_params = [{transform_indices = #map}, {transform_indices = #map1}, {transform_indices = #map1}]} {
    %mul3A = arith.constant 2 : i32
    %mul3A_0 = arith.muli %arg1, %mul3A : i32
    %add3A = arith.addi %mul3A_0, %arg0 : i32
    %scan3A = arith.constant 0 : i32
    %scan3A_1 = arith.constant 0 : i32
    %scan3A_2 = arith.constant 104 : i32
    %scan3A_3 = arith.addi %scan3A_1, %scan3A_2 : i32
    %scan3A_4 = arith.constant 1 : i32
    %scan3A_5 = scf.for %scan3A_28 = %scan3A_1 to %scan3A_3 step %scan3A_4 iter_args(%scan3A_29 = %scan3A) -> (i32)  : i32 {
      %dma_start3A = arith.constant 0 : i32
      %dma_start3A_30 = tpu.memref_slice %arg5[%scan3A_28, %dma_start3A] : memref<104x128xi32, #tpu.memory_space<vmem>> -> memref<1x128xi32, #tpu.memory_space<vmem>>
      %dma_start3A_31 = tpu.memref_squeeze %dma_start3A_30 : memref<1x128xi32, #tpu.memory_space<vmem>> -> memref<128xi32, #tpu.memory_space<vmem>>
      %dma_start3A_32 = arith.constant 0 : i32
      %dma_start3A_33 = arith.constant 0 : i32
      %dma_start3A_34 = tpu.memref_slice %arg3[%add3A, %dma_start3A_32, %dma_start3A_33] : memref<32x104x128xi32, #tpu.memory_space<hbm>> -> memref<1x104x128xi32, #tpu.memory_space<hbm>>
      %dma_start3A_35 = tpu.memref_squeeze %dma_start3A_34 : memref<1x104x128xi32, #tpu.memory_space<hbm>> -> memref<104x128xi32, #tpu.memory_space<hbm>>
      %dma_start3A_36 = arith.constant 0 : i32
      %dma_start3A_37 = tpu.memref_slice %dma_start3A_35[%scan3A_28, %dma_start3A_36] : memref<104x128xi32, #tpu.memory_space<hbm>> -> memref<1x128xi32, #tpu.memory_space<hbm>>
      %dma_start3A_38 = tpu.memref_squeeze %dma_start3A_37 : memref<1x128xi32, #tpu.memory_space<hbm>> -> memref<128xi32, #tpu.memory_space<hbm>>
      %dma_start3A_39 = arith.constant 0 : i32
      %dma_start3A_40 = tpu.memref_slice %arg5[%scan3A_28, %dma_start3A_39] : memref<104x128xi32, #tpu.memory_space<vmem>> -> memref<1x128xi32, #tpu.memory_space<vmem>>
      %dma_start3A_41 = tpu.memref_squeeze %dma_start3A_40 : memref<1x128xi32, #tpu.memory_space<vmem>> -> memref<128xi32, #tpu.memory_space<vmem>>
      %dma_start3A_42 = arith.constant 0 : i32
      %dma_start3A_43 = arith.constant 0 : i32
      %dma_start3A_44 = tpu.memref_slice %arg3[%add3A, %dma_start3A_42, %dma_start3A_43] : memref<32x104x128xi32, #tpu.memory_space<hbm>> -> memref<1x104x128xi32, #tpu.memory_space<hbm>>
      %dma_start3A_45 = tpu.memref_squeeze %dma_start3A_44 : memref<1x104x128xi32, #tpu.memory_space<hbm>> -> memref<104x128xi32, #tpu.memory_space<hbm>>
      %dma_start3A_46 = arith.constant 0 : i32
      %dma_start3A_47 = tpu.memref_slice %dma_start3A_45[%scan3A_28, %dma_start3A_46] : memref<104x128xi32, #tpu.memory_space<hbm>> -> memref<1x128xi32, #tpu.memory_space<hbm>>
      %dma_start3A_48 = tpu.memref_squeeze %dma_start3A_47 : memref<1x128xi32, #tpu.memory_space<hbm>> -> memref<128xi32, #tpu.memory_space<hbm>>
      tpu.enqueue_dma source(%dma_start3A_48 : memref<128xi32, #tpu.memory_space<hbm>>) target(%dma_start3A_41 : memref<128xi32, #tpu.memory_space<vmem>>) target_semaphore(%arg9 : memref<!tpu.dma_semaphore, #tpu.memory_space<semaphore_mem>>)
      %scan3A_49 = arith.constant 0 : i32
      scf.yield %scan3A_49 : i32
    }
    %scan3A_6 = arith.constant 104 : i32
    %scan3A_7 = arith.constant 0 : i32
    %scan3A_8 = arith.constant 0 : i32
    %scan3A_9 = arith.constant 104 : i32
    %scan3A_10 = arith.addi %scan3A_8, %scan3A_9 : i32
    %scan3A_11 = arith.constant 1 : i32
    %scan3A_12 = scf.for %scan3A_28 = %scan3A_8 to %scan3A_10 step %scan3A_11 iter_args(%scan3A_29 = %scan3A_7) -> (i32)  : i32 {
      %dma_wait3A = arith.constant 0 : i32
      %dma_wait3A_30 = tpu.memref_slice %arg5[%scan3A_28, %dma_wait3A] : memref<104x128xi32, #tpu.memory_space<vmem>> -> memref<1x128xi32, #tpu.memory_space<vmem>>
      %dma_wait3A_31 = tpu.memref_squeeze %dma_wait3A_30 : memref<1x128xi32, #tpu.memory_space<vmem>> -> memref<128xi32, #tpu.memory_space<vmem>>
      %dma_wait3A_32 = arith.constant 0 : i32
      %dma_wait3A_33 = arith.constant 0 : i32
      %dma_wait3A_34 = tpu.memref_slice %arg3[%add3A, %dma_wait3A_32, %dma_wait3A_33] : memref<32x104x128xi32, #tpu.memory_space<hbm>> -> memref<1x104x128xi32, #tpu.memory_space<hbm>>
      %dma_wait3A_35 = tpu.memref_squeeze %dma_wait3A_34 : memref<1x104x128xi32, #tpu.memory_space<hbm>> -> memref<104x128xi32, #tpu.memory_space<hbm>>
      %dma_wait3A_36 = arith.constant 0 : i32
      %dma_wait3A_37 = tpu.memref_slice %dma_wait3A_35[%scan3A_28, %dma_wait3A_36] : memref<104x128xi32, #tpu.memory_space<hbm>> -> memref<1x128xi32, #tpu.memory_space<hbm>>
      %dma_wait3A_38 = tpu.memref_squeeze %dma_wait3A_37 : memref<1x128xi32, #tpu.memory_space<hbm>> -> memref<128xi32, #tpu.memory_space<hbm>>
      %dma_wait3A_39 = arith.constant 0 : i32
      %dma_wait3A_40 = tpu.memref_slice %arg5[%scan3A_28, %dma_wait3A_39] : memref<104x128xi32, #tpu.memory_space<vmem>> -> memref<1x128xi32, #tpu.memory_space<vmem>>
      %dma_wait3A_41 = tpu.memref_squeeze %dma_wait3A_40 : memref<1x128xi32, #tpu.memory_space<vmem>> -> memref<128xi32, #tpu.memory_space<vmem>>
      %dma_wait3A_42 = arith.constant 0 : i32
      %dma_wait3A_43 = arith.constant 0 : i32
      %dma_wait3A_44 = tpu.memref_slice %arg3[%add3A, %dma_wait3A_42, %dma_wait3A_43] : memref<32x104x128xi32, #tpu.memory_space<hbm>> -> memref<1x104x128xi32, #tpu.memory_space<hbm>>
      %dma_wait3A_45 = tpu.memref_squeeze %dma_wait3A_44 : memref<1x104x128xi32, #tpu.memory_space<hbm>> -> memref<104x128xi32, #tpu.memory_space<hbm>>
      %dma_wait3A_46 = arith.constant 0 : i32
      %dma_wait3A_47 = tpu.memref_slice %dma_wait3A_45[%scan3A_28, %dma_wait3A_46] : memref<104x128xi32, #tpu.memory_space<hbm>> -> memref<1x128xi32, #tpu.memory_space<hbm>>
      %dma_wait3A_48 = tpu.memref_squeeze %dma_wait3A_47 : memref<1x128xi32, #tpu.memory_space<hbm>> -> memref<128xi32, #tpu.memory_space<hbm>>
      tpu.wait_dma2 semaphore(%arg9 : memref<!tpu.dma_semaphore, #tpu.memory_space<semaphore_mem>>) src(%dma_wait3A_48 : memref<128xi32, #tpu.memory_space<hbm>>) dst(%dma_wait3A_41 : memref<128xi32, #tpu.memory_space<vmem>>)
      %dma_start3A = arith.constant 0 : i32
      %dma_start3A_49 = tpu.memref_slice %arg6[%scan3A_28, %dma_start3A] : memref<104x128xf32, #tpu.memory_space<vmem>> -> memref<1x128xf32, #tpu.memory_space<vmem>>
      %dma_start3A_50 = tpu.memref_squeeze %dma_start3A_49 : memref<1x128xf32, #tpu.memory_space<vmem>> -> memref<128xf32, #tpu.memory_space<vmem>>
      %dma_start3A_51 = arith.constant 0 : i32
      %dma_start3A_52 = tpu.memref_slice %arg5[%scan3A_28, %dma_start3A_51] : memref<104x128xi32, #tpu.memory_space<vmem>> -> memref<1x128xi32, #tpu.memory_space<vmem>>
      %dma_start3A_53 = tpu.memref_squeeze %dma_start3A_52 : memref<1x128xi32, #tpu.memory_space<vmem>> -> memref<128xi32, #tpu.memory_space<vmem>>
      %dma_start3A_54 = arith.constant 0 : i32
      %dma_start3A_55 = tpu.memref_slice %arg2[%dma_start3A_54] : memref<2600000xf32, #tpu.memory_space<hbm>> -> memref<2600000xf32, #tpu.memory_space<hbm>>
      tpu.enqueue_indirect_dma source(%dma_start3A_55 : memref<2600000xf32, #tpu.memory_space<hbm>>) target(%dma_start3A_50 : memref<128xf32, #tpu.memory_space<vmem>>) offsets(%dma_start3A_53 : memref<128xi32, #tpu.memory_space<vmem>>) semaphore(%arg7 : memref<!tpu.dma_semaphore, #tpu.memory_space<semaphore_mem>>)
      %scan3A_56 = arith.constant 0 : i32
      scf.yield %scan3A_56 : i32
    }
    %scan3A_13 = arith.constant 104 : i32
    %scan3A_14 = arith.constant 0 : i32
    %scan3A_15 = arith.constant 0 : i32
    %scan3A_16 = arith.constant 104 : i32
    %scan3A_17 = arith.addi %scan3A_15, %scan3A_16 : i32
    %scan3A_18 = arith.constant 1 : i32
    %scan3A_19 = scf.for %scan3A_28 = %scan3A_15 to %scan3A_17 step %scan3A_18 iter_args(%scan3A_29 = %scan3A_14) -> (i32)  : i32 {
      %dma_wait3A = arith.constant 0 : i32
      %dma_wait3A_30 = tpu.memref_slice %arg6[%scan3A_28, %dma_wait3A] : memref<104x128xf32, #tpu.memory_space<vmem>> -> memref<1x128xf32, #tpu.memory_space<vmem>>
      %dma_wait3A_31 = tpu.memref_squeeze %dma_wait3A_30 : memref<1x128xf32, #tpu.memory_space<vmem>> -> memref<128xf32, #tpu.memory_space<vmem>>
      %dma_wait3A_32 = arith.constant 0 : i32
      %dma_wait3A_33 = tpu.memref_slice %arg5[%scan3A_28, %dma_wait3A_32] : memref<104x128xi32, #tpu.memory_space<vmem>> -> memref<1x128xi32, #tpu.memory_space<vmem>>
      %dma_wait3A_34 = tpu.memref_squeeze %dma_wait3A_33 : memref<1x128xi32, #tpu.memory_space<vmem>> -> memref<128xi32, #tpu.memory_space<vmem>>
      %dma_wait3A_35 = arith.constant 0 : i32
      %dma_wait3A_36 = tpu.memref_slice %arg2[%dma_wait3A_35] : memref<2600000xf32, #tpu.memory_space<hbm>> -> memref<2600000xf32, #tpu.memory_space<hbm>>
      tpu.wait_indirect_dma semaphore(%arg7 : memref<!tpu.dma_semaphore, #tpu.memory_space<semaphore_mem>>) src(%dma_wait3A_36 : memref<2600000xf32, #tpu.memory_space<hbm>>) dst(%dma_wait3A_31 : memref<128xf32, #tpu.memory_space<vmem>>)
      %dma_start3A = arith.constant 0 : i32
      %dma_start3A_37 = tpu.memref_slice %arg6[%scan3A_28, %dma_start3A] : memref<104x128xf32, #tpu.memory_space<vmem>> -> memref<1x128xf32, #tpu.memory_space<vmem>>
      %dma_start3A_38 = tpu.memref_squeeze %dma_start3A_37 : memref<1x128xf32, #tpu.memory_space<vmem>> -> memref<128xf32, #tpu.memory_space<vmem>>
      %dma_start3A_39 = arith.constant 0 : i32
      %dma_start3A_40 = arith.constant 0 : i32
      %dma_start3A_41 = tpu.memref_slice %arg4[%add3A, %dma_start3A_39, %dma_start3A_40] : memref<32x104x128xf32, #tpu.memory_space<hbm>> -> memref<1x104x128xf32, #tpu.memory_space<hbm>>
      %dma_start3A_42 = tpu.memref_squeeze %dma_start3A_41 : memref<1x104x128xf32, #tpu.memory_space<hbm>> -> memref<104x128xf32, #tpu.memory_space<hbm>>
      %dma_start3A_43 = arith.constant 0 : i32
      %dma_start3A_44 = tpu.memref_slice %dma_start3A_42[%scan3A_28, %dma_start3A_43] : memref<104x128xf32, #tpu.memory_space<hbm>> -> memref<1x128xf32, #tpu.memory_space<hbm>>
      %dma_start3A_45 = tpu.memref_squeeze %dma_start3A_44 : memref<1x128xf32, #tpu.memory_space<hbm>> -> memref<128xf32, #tpu.memory_space<hbm>>
      %dma_start3A_46 = arith.constant 0 : i32
      %dma_start3A_47 = arith.constant 0 : i32
      %dma_start3A_48 = tpu.memref_slice %arg4[%add3A, %dma_start3A_46, %dma_start3A_47] : memref<32x104x128xf32, #tpu.memory_space<hbm>> -> memref<1x104x128xf32, #tpu.memory_space<hbm>>
      %dma_start3A_49 = tpu.memref_squeeze %dma_start3A_48 : memref<1x104x128xf32, #tpu.memory_space<hbm>> -> memref<104x128xf32, #tpu.memory_space<hbm>>
      %dma_start3A_50 = arith.constant 0 : i32
      %dma_start3A_51 = tpu.memref_slice %dma_start3A_49[%scan3A_28, %dma_start3A_50] : memref<104x128xf32, #tpu.memory_space<hbm>> -> memref<1x128xf32, #tpu.memory_space<hbm>>
      %dma_start3A_52 = tpu.memref_squeeze %dma_start3A_51 : memref<1x128xf32, #tpu.memory_space<hbm>> -> memref<128xf32, #tpu.memory_space<hbm>>
      %dma_start3A_53 = arith.constant 0 : i32
      %dma_start3A_54 = tpu.memref_slice %arg6[%scan3A_28, %dma_start3A_53] : memref<104x128xf32, #tpu.memory_space<vmem>> -> memref<1x128xf32, #tpu.memory_space<vmem>>
      %dma_start3A_55 = tpu.memref_squeeze %dma_start3A_54 : memref<1x128xf32, #tpu.memory_space<vmem>> -> memref<128xf32, #tpu.memory_space<vmem>>
      tpu.enqueue_dma source(%dma_start3A_55 : memref<128xf32, #tpu.memory_space<vmem>>) target(%dma_start3A_52 : memref<128xf32, #tpu.memory_space<hbm>>) target_semaphore(%arg8 : memref<!tpu.dma_semaphore, #tpu.memory_space<semaphore_mem>>)
      %scan3A_56 = arith.constant 0 : i32
      scf.yield %scan3A_56 : i32
    }
    %scan3A_20 = arith.constant 104 : i32
    %scan3A_21 = arith.constant 0 : i32
    %scan3A_22 = arith.constant 0 : i32
    %scan3A_23 = arith.constant 104 : i32
    %scan3A_24 = arith.addi %scan3A_22, %scan3A_23 : i32
    %scan3A_25 = arith.constant 1 : i32
    %scan3A_26 = scf.for %scan3A_28 = %scan3A_22 to %scan3A_24 step %scan3A_25 iter_args(%scan3A_29 = %scan3A_21) -> (i32)  : i32 {
      %dma_wait3A = arith.constant 0 : i32
      %dma_wait3A_30 = tpu.memref_slice %arg6[%scan3A_28, %dma_wait3A] : memref<104x128xf32, #tpu.memory_space<vmem>> -> memref<1x128xf32, #tpu.memory_space<vmem>>
      %dma_wait3A_31 = tpu.memref_squeeze %dma_wait3A_30 : memref<1x128xf32, #tpu.memory_space<vmem>> -> memref<128xf32, #tpu.memory_space<vmem>>
      %dma_wait3A_32 = arith.constant 0 : i32
      %dma_wait3A_33 = arith.constant 0 : i32
      %dma_wait3A_34 = tpu.memref_slice %arg4[%add3A, %dma_wait3A_32, %dma_wait3A_33] : memref<32x104x128xf32, #tpu.memory_space<hbm>> -> memref<1x104x128xf32, #tpu.memory_space<hbm>>
      %dma_wait3A_35 = tpu.memref_squeeze %dma_wait3A_34 : memref<1x104x128xf32, #tpu.memory_space<hbm>> -> memref<104x128xf32, #tpu.memory_space<hbm>>
      %dma_wait3A_36 = arith.constant 0 : i32
      %dma_wait3A_37 = tpu.memref_slice %dma_wait3A_35[%scan3A_28, %dma_wait3A_36] : memref<104x128xf32, #tpu.memory_space<hbm>> -> memref<1x128xf32, #tpu.memory_space<hbm>>
      %dma_wait3A_38 = tpu.memref_squeeze %dma_wait3A_37 : memref<1x128xf32, #tpu.memory_space<hbm>> -> memref<128xf32, #tpu.memory_space<hbm>>
      %dma_wait3A_39 = arith.constant 0 : i32
      %dma_wait3A_40 = arith.constant 0 : i32
      %dma_wait3A_41 = tpu.memref_slice %arg4[%add3A, %dma_wait3A_39, %dma_wait3A_40] : memref<32x104x128xf32, #tpu.memory_space<hbm>> -> memref<1x104x128xf32, #tpu.memory_space<hbm>>
      %dma_wait3A_42 = tpu.memref_squeeze %dma_wait3A_41 : memref<1x104x128xf32, #tpu.memory_space<hbm>> -> memref<104x128xf32, #tpu.memory_space<hbm>>
      %dma_wait3A_43 = arith.constant 0 : i32
      %dma_wait3A_44 = tpu.memref_slice %dma_wait3A_42[%scan3A_28, %dma_wait3A_43] : memref<104x128xf32, #tpu.memory_space<hbm>> -> memref<1x128xf32, #tpu.memory_space<hbm>>
      %dma_wait3A_45 = tpu.memref_squeeze %dma_wait3A_44 : memref<1x128xf32, #tpu.memory_space<hbm>> -> memref<128xf32, #tpu.memory_space<hbm>>
      %dma_wait3A_46 = arith.constant 0 : i32
      %dma_wait3A_47 = tpu.memref_slice %arg6[%scan3A_28, %dma_wait3A_46] : memref<104x128xf32, #tpu.memory_space<vmem>> -> memref<1x128xf32, #tpu.memory_space<vmem>>
      %dma_wait3A_48 = tpu.memref_squeeze %dma_wait3A_47 : memref<1x128xf32, #tpu.memory_space<vmem>> -> memref<128xf32, #tpu.memory_space<vmem>>
      tpu.wait_dma2 semaphore(%arg8 : memref<!tpu.dma_semaphore, #tpu.memory_space<semaphore_mem>>) src(%dma_wait3A_48 : memref<128xf32, #tpu.memory_space<vmem>>) dst(%dma_wait3A_45 : memref<128xf32, #tpu.memory_space<hbm>>)
      %scan3A_49 = arith.constant 0 : i32
      scf.yield %scan3A_49 : i32
    }
    %scan3A_27 = arith.constant 104 : i32
    return
  }
}

#map = affine_map<(d0, d1) -> (0)>
#map1 = affine_map<(d0, d1) -> (0, 0, 0)>
module attributes {stable_mosaic.version = 14 : i64} {
  func.func @_gather_body(%arg0: i32, %arg1: i32, %arg2: memref<2600000xf32, #tpu.memory_space<hbm>>, %arg3: memref<32x104x128xi32, #tpu.memory_space<hbm>>, %arg4: memref<32x104x128xf32, #tpu.memory_space<hbm>>, %arg5: memref<104x128xi32, #tpu.memory_space<vmem>>, %arg6: memref<104x128xf32, #tpu.memory_space<vmem>>, %arg7: memref<!tpu.dma_semaphore, #tpu.memory_space<semaphore_mem>>, %arg8: memref<!tpu.dma_semaphore, #tpu.memory_space<semaphore_mem>>, %arg9: memref<!tpu.dma_semaphore, #tpu.memory_space<semaphore_mem>>) attributes {dimension_semantics = [#tpu.dimension_semantics<core_parallel>, #tpu.dimension_semantics<subcore_parallel>], iteration_bounds = array<i64: 2, 16>, scalar_prefetch = 0 : i64, scratch_operands = 5 : i64, tpu.core_type = #tpu.core_type<sc_vector_subcore>, window_params = [{transform_indices = #map}, {transform_indices = #map1}, {transform_indices = #map1}]} {
    %mul3A = arith.constant 2 : i32
    %mul3A_0 = arith.muli %arg1, %mul3A : i32
    %add3A = arith.addi %mul3A_0, %arg0 : i32
    %scan3A = arith.constant 0 : i32
    %scan3A_1 = arith.constant 0 : i32
    %scan3A_2 = arith.constant 104 : i32
    %scan3A_3 = arith.addi %scan3A_1, %scan3A_2 : i32
    %scan3A_4 = arith.constant 1 : i32
    %scan3A_5 = scf.for %scan3A_28 = %scan3A_1 to %scan3A_3 step %scan3A_4 iter_args(%scan3A_29 = %scan3A) -> (i32)  : i32 {
      %dma_start3A = arith.constant 0 : i32
      %dma_start3A_30 = tpu.memref_slice %arg5[%scan3A_28, %dma_start3A] : memref<104x128xi32, #tpu.memory_space<vmem>> -> memref<1x128xi32, #tpu.memory_space<vmem>>
      %dma_start3A_31 = tpu.memref_squeeze %dma_start3A_30 : memref<1x128xi32, #tpu.memory_space<vmem>> -> memref<128xi32, #tpu.memory_space<vmem>>
      %dma_start3A_32 = arith.constant 0 : i32
      %dma_start3A_33 = arith.constant 0 : i32
      %dma_start3A_34 = tpu.memref_slice %arg3[%add3A, %dma_start3A_32, %dma_start3A_33] : memref<32x104x128xi32, #tpu.memory_space<hbm>> -> memref<1x104x128xi32, #tpu.memory_space<hbm>>
      %dma_start3A_35 = tpu.memref_squeeze %dma_start3A_34 : memref<1x104x128xi32, #tpu.memory_space<hbm>> -> memref<104x128xi32, #tpu.memory_space<hbm>>
      %dma_start3A_36 = arith.constant 0 : i32
      %dma_start3A_37 = tpu.memref_slice %dma_start3A_35[%scan3A_28, %dma_start3A_36] : memref<104x128xi32, #tpu.memory_space<hbm>> -> memref<1x128xi32, #tpu.memory_space<hbm>>
      %dma_start3A_38 = tpu.memref_squeeze %dma_start3A_37 : memref<1x128xi32, #tpu.memory_space<hbm>> -> memref<128xi32, #tpu.memory_space<hbm>>
      %dma_start3A_39 = arith.constant 0 : i32
      %dma_start3A_40 = tpu.memref_slice %arg5[%scan3A_28, %dma_start3A_39] : memref<104x128xi32, #tpu.memory_space<vmem>> -> memref<1x128xi32, #tpu.memory_space<vmem>>
      %dma_start3A_41 = tpu.memref_squeeze %dma_start3A_40 : memref<1x128xi32, #tpu.memory_space<vmem>> -> memref<128xi32, #tpu.memory_space<vmem>>
      %dma_start3A_42 = arith.constant 0 : i32
      %dma_start3A_43 = arith.constant 0 : i32
      %dma_start3A_44 = tpu.memref_slice %arg3[%add3A, %dma_start3A_42, %dma_start3A_43] : memref<32x104x128xi32, #tpu.memory_space<hbm>> -> memref<1x104x128xi32, #tpu.memory_space<hbm>>
      %dma_start3A_45 = tpu.memref_squeeze %dma_start3A_44 : memref<1x104x128xi32, #tpu.memory_space<hbm>> -> memref<104x128xi32, #tpu.memory_space<hbm>>
      %dma_start3A_46 = arith.constant 0 : i32
      %dma_start3A_47 = tpu.memref_slice %dma_start3A_45[%scan3A_28, %dma_start3A_46] : memref<104x128xi32, #tpu.memory_space<hbm>> -> memref<1x128xi32, #tpu.memory_space<hbm>>
      %dma_start3A_48 = tpu.memref_squeeze %dma_start3A_47 : memref<1x128xi32, #tpu.memory_space<hbm>> -> memref<128xi32, #tpu.memory_space<hbm>>
      tpu.enqueue_dma source(%dma_start3A_48 : memref<128xi32, #tpu.memory_space<hbm>>) target(%dma_start3A_41 : memref<128xi32, #tpu.memory_space<vmem>>) target_semaphore(%arg9 : memref<!tpu.dma_semaphore, #tpu.memory_space<semaphore_mem>>)
      %scan3A_49 = arith.constant 0 : i32
      scf.yield %scan3A_49 : i32
    }
    %scan3A_6 = arith.constant 104 : i32
    %scan3A_7 = arith.constant 0 : i32
    %scan3A_8 = arith.constant 0 : i32
    %scan3A_9 = arith.constant 104 : i32
    %scan3A_10 = arith.addi %scan3A_8, %scan3A_9 : i32
    %scan3A_11 = arith.constant 1 : i32
    %scan3A_12 = scf.for %scan3A_28 = %scan3A_8 to %scan3A_10 step %scan3A_11 iter_args(%scan3A_29 = %scan3A_7) -> (i32)  : i32 {
      %dma_wait3A = arith.constant 0 : i32
      %dma_wait3A_30 = tpu.memref_slice %arg5[%scan3A_28, %dma_wait3A] : memref<104x128xi32, #tpu.memory_space<vmem>> -> memref<1x128xi32, #tpu.memory_space<vmem>>
      %dma_wait3A_31 = tpu.memref_squeeze %dma_wait3A_30 : memref<1x128xi32, #tpu.memory_space<vmem>> -> memref<128xi32, #tpu.memory_space<vmem>>
      %dma_wait3A_32 = arith.constant 0 : i32
      %dma_wait3A_33 = arith.constant 0 : i32
      %dma_wait3A_34 = tpu.memref_slice %arg3[%add3A, %dma_wait3A_32, %dma_wait3A_33] : memref<32x104x128xi32, #tpu.memory_space<hbm>> -> memref<1x104x128xi32, #tpu.memory_space<hbm>>
      %dma_wait3A_35 = tpu.memref_squeeze %dma_wait3A_34 : memref<1x104x128xi32, #tpu.memory_space<hbm>> -> memref<104x128xi32, #tpu.memory_space<hbm>>
      %dma_wait3A_36 = arith.constant 0 : i32
      %dma_wait3A_37 = tpu.memref_slice %dma_wait3A_35[%scan3A_28, %dma_wait3A_36] : memref<104x128xi32, #tpu.memory_space<hbm>> -> memref<1x128xi32, #tpu.memory_space<hbm>>
      %dma_wait3A_38 = tpu.memref_squeeze %dma_wait3A_37 : memref<1x128xi32, #tpu.memory_space<hbm>> -> memref<128xi32, #tpu.memory_space<hbm>>
      %dma_wait3A_39 = arith.constant 0 : i32
      %dma_wait3A_40 = tpu.memref_slice %arg5[%scan3A_28, %dma_wait3A_39] : memref<104x128xi32, #tpu.memory_space<vmem>> -> memref<1x128xi32, #tpu.memory_space<vmem>>
      %dma_wait3A_41 = tpu.memref_squeeze %dma_wait3A_40 : memref<1x128xi32, #tpu.memory_space<vmem>> -> memref<128xi32, #tpu.memory_space<vmem>>
      %dma_wait3A_42 = arith.constant 0 : i32
      %dma_wait3A_43 = arith.constant 0 : i32
      %dma_wait3A_44 = tpu.memref_slice %arg3[%add3A, %dma_wait3A_42, %dma_wait3A_43] : memref<32x104x128xi32, #tpu.memory_space<hbm>> -> memref<1x104x128xi32, #tpu.memory_space<hbm>>
      %dma_wait3A_45 = tpu.memref_squeeze %dma_wait3A_44 : memref<1x104x128xi32, #tpu.memory_space<hbm>> -> memref<104x128xi32, #tpu.memory_space<hbm>>
      %dma_wait3A_46 = arith.constant 0 : i32
      %dma_wait3A_47 = tpu.memref_slice %dma_wait3A_45[%scan3A_28, %dma_wait3A_46] : memref<104x128xi32, #tpu.memory_space<hbm>> -> memref<1x128xi32, #tpu.memory_space<hbm>>
      %dma_wait3A_48 = tpu.memref_squeeze %dma_wait3A_47 : memref<1x128xi32, #tpu.memory_space<hbm>> -> memref<128xi32, #tpu.memory_space<hbm>>
      tpu.wait_dma2 semaphore(%arg9 : memref<!tpu.dma_semaphore, #tpu.memory_space<semaphore_mem>>) src(%dma_wait3A_48 : memref<128xi32, #tpu.memory_space<hbm>>) dst(%dma_wait3A_41 : memref<128xi32, #tpu.memory_space<vmem>>)
      %dma_start3A = arith.constant 0 : i32
      %dma_start3A_49 = tpu.memref_slice %arg6[%scan3A_28, %dma_start3A] : memref<104x128xf32, #tpu.memory_space<vmem>> -> memref<1x128xf32, #tpu.memory_space<vmem>>
      %dma_start3A_50 = tpu.memref_squeeze %dma_start3A_49 : memref<1x128xf32, #tpu.memory_space<vmem>> -> memref<128xf32, #tpu.memory_space<vmem>>
      %dma_start3A_51 = arith.constant 0 : i32
      %dma_start3A_52 = tpu.memref_slice %arg5[%scan3A_28, %dma_start3A_51] : memref<104x128xi32, #tpu.memory_space<vmem>> -> memref<1x128xi32, #tpu.memory_space<vmem>>
      %dma_start3A_53 = tpu.memref_squeeze %dma_start3A_52 : memref<1x128xi32, #tpu.memory_space<vmem>> -> memref<128xi32, #tpu.memory_space<vmem>>
      %dma_start3A_54 = arith.constant 0 : i32
      %dma_start3A_55 = tpu.memref_slice %arg2[%dma_start3A_54] : memref<2600000xf32, #tpu.memory_space<hbm>> -> memref<2600000xf32, #tpu.memory_space<hbm>>
      tpu.enqueue_indirect_dma source(%dma_start3A_55 : memref<2600000xf32, #tpu.memory_space<hbm>>) target(%dma_start3A_50 : memref<128xf32, #tpu.memory_space<vmem>>) offsets(%dma_start3A_53 : memref<128xi32, #tpu.memory_space<vmem>>) semaphore(%arg7 : memref<!tpu.dma_semaphore, #tpu.memory_space<semaphore_mem>>)
      %scan3A_56 = arith.constant 0 : i32
      scf.yield %scan3A_56 : i32
    }
    %scan3A_13 = arith.constant 104 : i32
    %scan3A_14 = arith.constant 0 : i32
    %scan3A_15 = arith.constant 0 : i32
    %scan3A_16 = arith.constant 104 : i32
    %scan3A_17 = arith.addi %scan3A_15, %scan3A_16 : i32
    %scan3A_18 = arith.constant 1 : i32
    %scan3A_19 = scf.for %scan3A_28 = %scan3A_15 to %scan3A_17 step %scan3A_18 iter_args(%scan3A_29 = %scan3A_14) -> (i32)  : i32 {
      %dma_wait3A = arith.constant 0 : i32
      %dma_wait3A_30 = tpu.memref_slice %arg6[%scan3A_28, %dma_wait3A] : memref<104x128xf32, #tpu.memory_space<vmem>> -> memref<1x128xf32, #tpu.memory_space<vmem>>
      %dma_wait3A_31 = tpu.memref_squeeze %dma_wait3A_30 : memref<1x128xf32, #tpu.memory_space<vmem>> -> memref<128xf32, #tpu.memory_space<vmem>>
      %dma_wait3A_32 = arith.constant 0 : i32
      %dma_wait3A_33 = tpu.memref_slice %arg5[%scan3A_28, %dma_wait3A_32] : memref<104x128xi32, #tpu.memory_space<vmem>> -> memref<1x128xi32, #tpu.memory_space<vmem>>
      %dma_wait3A_34 = tpu.memref_squeeze %dma_wait3A_33 : memref<1x128xi32, #tpu.memory_space<vmem>> -> memref<128xi32, #tpu.memory_space<vmem>>
      %dma_wait3A_35 = arith.constant 0 : i32
      %dma_wait3A_36 = tpu.memref_slice %arg2[%dma_wait3A_35] : memref<2600000xf32, #tpu.memory_space<hbm>> -> memref<2600000xf32, #tpu.memory_space<hbm>>
      tpu.wait_indirect_dma semaphore(%arg7 : memref<!tpu.dma_semaphore, #tpu.memory_space<semaphore_mem>>) src(%dma_wait3A_36 : memref<2600000xf32, #tpu.memory_space<hbm>>) dst(%dma_wait3A_31 : memref<128xf32, #tpu.memory_space<vmem>>)
      %dma_start3A = arith.constant 0 : i32
      %dma_start3A_37 = tpu.memref_slice %arg6[%scan3A_28, %dma_start3A] : memref<104x128xf32, #tpu.memory_space<vmem>> -> memref<1x128xf32, #tpu.memory_space<vmem>>
      %dma_start3A_38 = tpu.memref_squeeze %dma_start3A_37 : memref<1x128xf32, #tpu.memory_space<vmem>> -> memref<128xf32, #tpu.memory_space<vmem>>
      %dma_start3A_39 = arith.constant 0 : i32
      %dma_start3A_40 = arith.constant 0 : i32
      %dma_start3A_41 = tpu.memref_slice %arg4[%add3A, %dma_start3A_39, %dma_start3A_40] : memref<32x104x128xf32, #tpu.memory_space<hbm>> -> memref<1x104x128xf32, #tpu.memory_space<hbm>>
      %dma_start3A_42 = tpu.memref_squeeze %dma_start3A_41 : memref<1x104x128xf32, #tpu.memory_space<hbm>> -> memref<104x128xf32, #tpu.memory_space<hbm>>
      %dma_start3A_43 = arith.constant 0 : i32
      %dma_start3A_44 = tpu.memref_slice %dma_start3A_42[%scan3A_28, %dma_start3A_43] : memref<104x128xf32, #tpu.memory_space<hbm>> -> memref<1x128xf32, #tpu.memory_space<hbm>>
      %dma_start3A_45 = tpu.memref_squeeze %dma_start3A_44 : memref<1x128xf32, #tpu.memory_space<hbm>> -> memref<128xf32, #tpu.memory_space<hbm>>
      %dma_start3A_46 = arith.constant 0 : i32
      %dma_start3A_47 = arith.constant 0 : i32
      %dma_start3A_48 = tpu.memref_slice %arg4[%add3A, %dma_start3A_46, %dma_start3A_47] : memref<32x104x128xf32, #tpu.memory_space<hbm>> -> memref<1x104x128xf32, #tpu.memory_space<hbm>>
      %dma_start3A_49 = tpu.memref_squeeze %dma_start3A_48 : memref<1x104x128xf32, #tpu.memory_space<hbm>> -> memref<104x128xf32, #tpu.memory_space<hbm>>
      %dma_start3A_50 = arith.constant 0 : i32
      %dma_start3A_51 = tpu.memref_slice %dma_start3A_49[%scan3A_28, %dma_start3A_50] : memref<104x128xf32, #tpu.memory_space<hbm>> -> memref<1x128xf32, #tpu.memory_space<hbm>>
      %dma_start3A_52 = tpu.memref_squeeze %dma_start3A_51 : memref<1x128xf32, #tpu.memory_space<hbm>> -> memref<128xf32, #tpu.memory_space<hbm>>
      %dma_start3A_53 = arith.constant 0 : i32
      %dma_start3A_54 = tpu.memref_slice %arg6[%scan3A_28, %dma_start3A_53] : memref<104x128xf32, #tpu.memory_space<vmem>> -> memref<1x128xf32, #tpu.memory_space<vmem>>
      %dma_start3A_55 = tpu.memref_squeeze %dma_start3A_54 : memref<1x128xf32, #tpu.memory_space<vmem>> -> memref<128xf32, #tpu.memory_space<vmem>>
      tpu.enqueue_dma source(%dma_start3A_55 : memref<128xf32, #tpu.memory_space<vmem>>) target(%dma_start3A_52 : memref<128xf32, #tpu.memory_space<hbm>>) target_semaphore(%arg8 : memref<!tpu.dma_semaphore, #tpu.memory_space<semaphore_mem>>)
      %scan3A_56 = arith.constant 0 : i32
      scf.yield %scan3A_56 : i32
    }
    %scan3A_20 = arith.constant 104 : i32
    %scan3A_21 = arith.constant 0 : i32
    %scan3A_22 = arith.constant 0 : i32
    %scan3A_23 = arith.constant 104 : i32
    %scan3A_24 = arith.addi %scan3A_22, %scan3A_23 : i32
    %scan3A_25 = arith.constant 1 : i32
    %scan3A_26 = scf.for %scan3A_28 = %scan3A_22 to %scan3A_24 step %scan3A_25 iter_args(%scan3A_29 = %scan3A_21) -> (i32)  : i32 {
      %dma_wait3A = arith.constant 0 : i32
      %dma_wait3A_30 = tpu.memref_slice %arg6[%scan3A_28, %dma_wait3A] : memref<104x128xf32, #tpu.memory_space<vmem>> -> memref<1x128xf32, #tpu.memory_space<vmem>>
      %dma_wait3A_31 = tpu.memref_squeeze %dma_wait3A_30 : memref<1x128xf32, #tpu.memory_space<vmem>> -> memref<128xf32, #tpu.memory_space<vmem>>
      %dma_wait3A_32 = arith.constant 0 : i32
      %dma_wait3A_33 = arith.constant 0 : i32
      %dma_wait3A_34 = tpu.memref_slice %arg4[%add3A, %dma_wait3A_32, %dma_wait3A_33] : memref<32x104x128xf32, #tpu.memory_space<hbm>> -> memref<1x104x128xf32, #tpu.memory_space<hbm>>
      %dma_wait3A_35 = tpu.memref_squeeze %dma_wait3A_34 : memref<1x104x128xf32, #tpu.memory_space<hbm>> -> memref<104x128xf32, #tpu.memory_space<hbm>>
      %dma_wait3A_36 = arith.constant 0 : i32
      %dma_wait3A_37 = tpu.memref_slice %dma_wait3A_35[%scan3A_28, %dma_wait3A_36] : memref<104x128xf32, #tpu.memory_space<hbm>> -> memref<1x128xf32, #tpu.memory_space<hbm>>
      %dma_wait3A_38 = tpu.memref_squeeze %dma_wait3A_37 : memref<1x128xf32, #tpu.memory_space<hbm>> -> memref<128xf32, #tpu.memory_space<hbm>>
      %dma_wait3A_39 = arith.constant 0 : i32
      %dma_wait3A_40 = arith.constant 0 : i32
      %dma_wait3A_41 = tpu.memref_slice %arg4[%add3A, %dma_wait3A_39, %dma_wait3A_40] : memref<32x104x128xf32, #tpu.memory_space<hbm>> -> memref<1x104x128xf32, #tpu.memory_space<hbm>>
      %dma_wait3A_42 = tpu.memref_squeeze %dma_wait3A_41 : memref<1x104x128xf32, #tpu.memory_space<hbm>> -> memref<104x128xf32, #tpu.memory_space<hbm>>
      %dma_wait3A_43 = arith.constant 0 : i32
      %dma_wait3A_44 = tpu.memref_slice %dma_wait3A_42[%scan3A_28, %dma_wait3A_43] : memref<104x128xf32, #tpu.memory_space<hbm>> -> memref<1x128xf32, #tpu.memory_space<hbm>>
      %dma_wait3A_45 = tpu.memref_squeeze %dma_wait3A_44 : memref<1x128xf32, #tpu.memory_space<hbm>> -> memref<128xf32, #tpu.memory_space<hbm>>
      %dma_wait3A_46 = arith.constant 0 : i32
      %dma_wait3A_47 = tpu.memref_slice %arg6[%scan3A_28, %dma_wait3A_46] : memref<104x128xf32, #tpu.memory_space<vmem>> -> memref<1x128xf32, #tpu.memory_space<vmem>>
      %dma_wait3A_48 = tpu.memref_squeeze %dma_wait3A_47 : memref<1x128xf32, #tpu.memory_space<vmem>> -> memref<128xf32, #tpu.memory_space<vmem>>
      tpu.wait_dma2 semaphore(%arg8 : memref<!tpu.dma_semaphore, #tpu.memory_space<semaphore_mem>>) src(%dma_wait3A_48 : memref<128xf32, #tpu.memory_space<vmem>>) dst(%dma_wait3A_45 : memref<128xf32, #tpu.memory_space<hbm>>)
      %scan3A_49 = arith.constant 0 : i32
      scf.yield %scan3A_49 : i32
    }
    %scan3A_27 = arith.constant 104 : i32
    return
  }
}

module attributes {stable_mosaic.version = 14 : i64} {
  func.func @_mlp_body(%arg0: i32, %arg1: memref<13x8192xf32, #tpu.memory_space<vmem>>, %arg2: memref<26x8192xf32, #tpu.memory_space<vmem>>, %arg3: memref<26x8192xf32, #tpu.memory_space<vmem>>, %arg4: memref<13x128xf32, #tpu.memory_space<vmem>>, %arg5: memref<26x128xf32, #tpu.memory_space<vmem>>, %arg6: memref<26x128xf32, #tpu.memory_space<vmem>>, %arg7: memref<1x128xf32, #tpu.memory_space<vmem>>, %arg8: memref<128x2xf32, #tpu.memory_space<vmem>>, %arg9: memref<2x1xf32, #tpu.memory_space<vmem>>, %arg10: memref<2x8192xf32, #tpu.memory_space<vmem>>) attributes {dimension_semantics = [#tpu.dimension_semantics<arbitrary>], iteration_bounds = array<i64: 2>, scalar_prefetch = 0 : i64, scratch_operands = 0 : i64, tpu.core_type = #tpu.core_type<tc>, window_params = [{transform_indices = @transform_0, window_bounds = array<i64: 13, 8192>}, {transform_indices = @transform_1, window_bounds = array<i64: 26, 8192>}, {transform_indices = @transform_2, window_bounds = array<i64: 26, 8192>}, {pipeline_mode = #tpu.pipeline_mode<synchronous>, transform_indices = @transform_3, window_bounds = array<i64: 13, 128>}, {pipeline_mode = #tpu.pipeline_mode<synchronous>, transform_indices = @transform_4, window_bounds = array<i64: 26, 128>}, {pipeline_mode = #tpu.pipeline_mode<synchronous>, transform_indices = @transform_5, window_bounds = array<i64: 26, 128>}, {pipeline_mode = #tpu.pipeline_mode<synchronous>, transform_indices = @transform_6, window_bounds = array<i64: 1, 128>}, {pipeline_mode = #tpu.pipeline_mode<synchronous>, transform_indices = @transform_7, window_bounds = array<i64: 128, 2>}, {pipeline_mode = #tpu.pipeline_mode<synchronous>, transform_indices = @transform_8, window_bounds = array<i64: 2, 1>}, {transform_indices = @transform_9, window_bounds = array<i64: 2, 8192>}]} {
    %get3A = arith.constant 0 : index
    %get3A_0 = arith.constant 0 : index
    %get3A_1 = vector.load %arg1[%get3A, %get3A_0] : memref<13x8192xf32, #tpu.memory_space<vmem>>, vector<13x8192xf32>
    %get3A_2 = arith.constant 0 : index
    %get3A_3 = arith.constant 0 : index
    %get3A_4 = vector.load %arg4[%get3A_2, %get3A_3] : memref<13x128xf32, #tpu.memory_space<vmem>>, vector<13x128xf32>
    %dot_general3A = arith.constant dense<0.000000e+00> : vector<8192x128xf32>
    %dot_general3A_5 = tpu.matmul %get3A_1, %get3A_4, %dot_general3A {dimension_numbers = #tpu.dot_dimension_numbers<[0], [0], [1], [1], [0, 1, 1, 1], [], []>, transpose_lhs_hint = false} : vector<13x8192xf32>, vector<13x128xf32>, vector<8192x128xf32> -> vector<8192x128xf32>
    %get3A_6 = arith.constant 0 : index
    %get3A_7 = arith.constant 0 : index
    %get3A_8 = vector.load %arg2[%get3A_6, %get3A_7] : memref<26x8192xf32, #tpu.memory_space<vmem>>, vector<26x8192xf32>
    %get3A_9 = arith.constant 0 : index
    %get3A_10 = arith.constant 0 : index
    %get3A_11 = vector.load %arg5[%get3A_9, %get3A_10] : memref<26x128xf32, #tpu.memory_space<vmem>>, vector<26x128xf32>
    %dot_general3A_12 = arith.constant dense<0.000000e+00> : vector<8192x128xf32>
    %dot_general3A_13 = tpu.matmul %get3A_8, %get3A_11, %dot_general3A_12 {dimension_numbers = #tpu.dot_dimension_numbers<[0], [0], [1], [1], [0, 1, 1, 1], [], []>, transpose_lhs_hint = false} : vector<26x8192xf32>, vector<26x128xf32>, vector<8192x128xf32> -> vector<8192x128xf32>
    %add3A = arith.addf %dot_general3A_5, %dot_general3A_13 : vector<8192x128xf32>
    %get3A_14 = arith.constant 0 : index
    %get3A_15 = arith.constant 0 : index
    %get3A_16 = vector.load %arg3[%get3A_14, %get3A_15] : memref<26x8192xf32, #tpu.memory_space<vmem>>, vector<26x8192xf32>
    %get3A_17 = arith.constant 0 : index
    %get3A_18 = arith.constant 0 : index
    %get3A_19 = vector.load %arg6[%get3A_17, %get3A_18] : memref<26x128xf32, #tpu.memory_space<vmem>>, vector<26x128xf32>
    %dot_general3A_20 = arith.constant dense<0.000000e+00> : vector<8192x128xf32>
    %dot_general3A_21 = tpu.matmul %get3A_16, %get3A_19, %dot_general3A_20 {dimension_numbers = #tpu.dot_dimension_numbers<[0], [0], [1], [1], [0, 1, 1, 1], [], []>, transpose_lhs_hint = false} : vector<26x8192xf32>, vector<26x128xf32>, vector<8192x128xf32> -> vector<8192x128xf32>
    %add3A_22 = arith.addf %add3A, %dot_general3A_21 : vector<8192x128xf32>
    %get3A_23 = arith.constant 0 : index
    %get3A_24 = arith.constant 0 : index
    %get3A_25 = vector.load %arg7[%get3A_23, %get3A_24] : memref<1x128xf32, #tpu.memory_space<vmem>>, vector<1x128xf32>
    %add3A_26 = vector.broadcast %get3A_25 : vector<1x128xf32> to vector<8192x128xf32>
    %add3A_27 = arith.addf %add3A_22, %add3A_26 : vector<8192x128xf32>
    %max3A = arith.constant 0.000000e+00 : f32
    %max3A_28 = vector.broadcast %max3A : f32 to vector<8192x128xf32>
    %max3A_29 = arith.maximumf %add3A_27, %max3A_28 : vector<8192x128xf32>
    %get3A_30 = arith.constant 0 : index
    %get3A_31 = arith.constant 0 : index
    %get3A_32 = vector.load %arg8[%get3A_30, %get3A_31] : memref<128x2xf32, #tpu.memory_space<vmem>>, vector<128x2xf32>
    %dot_general3A_33 = arith.constant dense<0.000000e+00> : vector<2x8192xf32>
    %dot_general3A_34 = tpu.matmul %get3A_32, %max3A_29, %dot_general3A_33 {dimension_numbers = #tpu.dot_dimension_numbers<[0], [1], [1], [0], [0, 1, 1, 0], [], []>, transpose_lhs_hint = false} : vector<128x2xf32>, vector<8192x128xf32>, vector<2x8192xf32> -> vector<2x8192xf32>
    %get3A_35 = arith.constant 0 : index
    %get3A_36 = arith.constant 0 : index
    %get3A_37 = vector.load %arg9[%get3A_35, %get3A_36] : memref<2x1xf32, #tpu.memory_space<vmem>>, vector<2x1xf32>
    %add3A_38 = vector.broadcast %get3A_37 : vector<2x1xf32> to vector<2x8192xf32>
    %add3A_39 = arith.addf %dot_general3A_34, %add3A_38 : vector<2x8192xf32>
    %iota3A = tpu.iota {dimensions = array<i32: 0>} : vector<2x8192xi32>
    %eq3A = arith.constant 0 : i32
    %eq3A_40 = vector.broadcast %eq3A : i32 to vector<2x8192xi32>
    %eq3A_41 = arith.cmpi eq, %iota3A, %eq3A_40 : vector<2x8192xi32>
    %max3A_42 = arith.constant 0.000000e+00 : f32
    %max3A_43 = vector.broadcast %max3A_42 : f32 to vector<2x8192xf32>
    %max3A_44 = arith.maximumf %add3A_39, %max3A_43 : vector<2x8192xf32>
    %add3A_45 = arith.constant 2.500000e-02 : f32
    %add3A_46 = vector.broadcast %add3A_45 : f32 to vector<2x8192xf32>
    %add3A_47 = arith.addf %max3A_44, %add3A_46 : vector<2x8192xf32>
    %select_n3A = arith.select %eq3A_41, %add3A_39, %add3A_47 : vector<2x8192xi1>, vector<2x8192xf32>
    %swap3A = arith.constant 0 : index
    %swap3A_48 = arith.constant 0 : index
    %swap3A_49 = vector.load %arg10[%swap3A, %swap3A_48] : memref<2x8192xf32, #tpu.memory_space<vmem>>, vector<2x8192xf32>
    tpu.vector_store %arg10[%swap3A, %swap3A_48], %select_n3A {strides = array<i32>} : memref<2x8192xf32, #tpu.memory_space<vmem>>, vector<2x8192xf32>,
    return
  }
  func.func @transform_0(%arg0: i32) -> (i32, i32) {
    %c0_i32 = arith.constant 0 : i32
    %c0_i32_0 = arith.constant 0 : i32
    return %c0_i32, %arg0 : i32, i32
  }
  func.func @transform_1(%arg0: i32) -> (i32, i32) {
    %c0_i32 = arith.constant 0 : i32
    %c0_i32_0 = arith.constant 0 : i32
    return %c0_i32, %arg0 : i32, i32
  }
  func.func @transform_2(%arg0: i32) -> (i32, i32) {
    %c0_i32 = arith.constant 0 : i32
    %c0_i32_0 = arith.constant 0 : i32
    return %c0_i32, %arg0 : i32, i32
  }
  func.func @transform_3(%arg0: i32) -> (i32, i32) {
    %c0_i32 = arith.constant 0 : i32
    %c0_i32_0 = arith.constant 0 : i32
    %c0_i32_1 = arith.constant 0 : i32
    return %c0_i32, %c0_i32_0 : i32, i32
  }
  func.func @transform_4(%arg0: i32) -> (i32, i32) {
    %c0_i32 = arith.constant 0 : i32
    %c0_i32_0 = arith.constant 0 : i32
    %c0_i32_1 = arith.constant 0 : i32
    return %c0_i32, %c0_i32_0 : i32, i32
  }
  func.func @transform_5(%arg0: i32) -> (i32, i32) {
    %c0_i32 = arith.constant 0 : i32
    %c0_i32_0 = arith.constant 0 : i32
    %c0_i32_1 = arith.constant 0 : i32
    return %c0_i32, %c0_i32_0 : i32, i32
  }
  func.func @transform_6(%arg0: i32) -> (i32, i32) {
    %c0_i32 = arith.constant 0 : i32
    %c0_i32_0 = arith.constant 0 : i32
    %c0_i32_1 = arith.constant 0 : i32
    return %c0_i32, %c0_i32_0 : i32, i32
  }
  func.func @transform_7(%arg0: i32) -> (i32, i32) {
    %c0_i32 = arith.constant 0 : i32
    %c0_i32_0 = arith.constant 0 : i32
    %c0_i32_1 = arith.constant 0 : i32
    return %c0_i32, %c0_i32_0 : i32, i32
  }
  func.func @transform_8(%arg0: i32) -> (i32, i32) {
    %c0_i32 = arith.constant 0 : i32
    %c0_i32_0 = arith.constant 0 : i32
    %c0_i32_1 = arith.constant 0 : i32
    return %c0_i32, %c0_i32_0 : i32, i32
  }
  func.func @transform_9(%arg0: i32) -> (i32, i32) {
    %c0_i32 = arith.constant 0 : i32
    %c0_i32_0 = arith.constant 0 : i32
    return %c0_i32, %arg0 : i32, i32
  }
}

</mosaic_0001>

<sc_bundles>
// kernel: kernel.5.cloned.1.call-start
scs
__scs_entry_jumppad:
0x0: {  	(pc) =	sbr.rel $0x88, $3  }
0x1: {  	(tag) =	ssettag $0x0;
	lr =	simm.s32 $0x1  }
0x2: {  	[smem:$0x3F9A] =	sst lr;
	_ =	strace $0xD0000000  }
0x3: {  	_ = 	snop  }
0x4: {  	_ = 	snop  }
0x5: {  	_ = 	snop  }
0x6: {  	_ = 	snop  }
0x7: {  	_ = 	snop  }
__scs_overlays_trampoline_lowered:
0x8: {  	[smem:$0x3FA9] =	sst s0  }
0x9: {  	[smem:$0x3FAA] =	sst s1  }
0xa: {  	[smem:$0x3FAB] =	sst s2  }
0xb: {  	[smem:$0x3FAC] =	sst s3  }
0xc: {  	[smem:$0x3FAD] =	sst s4  }
0xd: {  	[smem:$0x3FAE] =	sst s5  }
0xe: {  	[smem:$0x3FAF] =	sst s6  }
0xf: {  	[smem:$0x3FB0] =	sst s7  }
0x10: {  	[smem:$0x3FB1] =	sst s8  }
0x11: {  	[smem:$0x3FB2] =	sst s9;
	s0 =	simm.s32 @!p0 $0x0  }
0x12: {  	s1 =	sld [smem:$0x3F98];
	s0 =	simm.s32 @p0 $0x1  }
0x13: {  	[smem:$0x3FB3] =	sst s0;
	s0 =	simm.s32 @!p1 $0x0  }
0x14: {  	s2 =	sld [smem:$0x3F97];
	s0 =	simm.s32 @p1 $0x1  }
0x15: {  	[smem:$0x3FB4] =	sst s0;
	s0 =	simm.s32 @!p2 $0x0  }
0x16: {  	s3 =	sld [smem:$0x3FDB];
	s0 =	simm.s32 @p2 $0x1  }
0x17: {  	s4 =	simm.s32 $0x1BF5;
	[smem:$0x3FB6] =	sst s0  }
0x18: {  	s0 =	sld [smem:$0x3F99];
	_ =	swait.ge [sflag:s4], $0x0  }
0x19: {  	s7 =	sld [smem:$0x3F9A]  }
0x1a: {  	s8 =	sadd.s32 $0xFFFFE003, lr  }
0x1b: {  	s9 =	sadd.s32 $0xFFFFFEF7, lr;
	s5 =	simm.s32 $0xFFFFFFFF;
	p2 =	slt.u32 s8, $0xFFFFF086  }
0x1c: {  	p1 =	slt.u32 s9, $0xF7A;
	s5 =	simm.s32 @!p2 $0x0  }
0x1d: {  	s5 =	simm.s32 @p1 $0x1;
	p0 =	seq.s32 s7, s2  }
0x1e: {  	s7 =	smul.u32 @!p0 $0xF7A, s2;
	p2 =	seq.s32 @!p0 s5, $0x0  }
0x1f: {  	s9 =	smul.u32 $0xF7A, s1;
	s8 =	simm.s32 @!p0 $0x1BF5;
	p2 =	por !p2, p0  }
0x20: {  	[sflag:s8] =	ssyncset.s32 @!p0 $0xFFFFF086;
	s6 =	sadd.s32 @!p0 s3, s7;
	s7 =	simm.s32 @!p0 $0x108  }
0x21: {  	s3 =	sadd.s32 s3, s9;
	s6 =	sadd.s32 @!p0 $0x88, s6;
	s7 =	simm.s32 @p2 $0x1082  }
0x22: {  	[simem:s7], [sflag:s8] =	dma.local @!p0 [hbm:s6], $0xF7A  }
0x23: {  	s9 =	sor.u32 $0xD0000000, s2;
	s6 =	simm.s32 $0x108;
	_ =	swait.ge @!p0 [sflag:s8], $0x0  }
0x24: {  	s3 =	sadd.s32 $0x88, s3;
	s6 =	simm.s32 @!p1 $0x1082;
	[sflag:s4] =	ssyncset.s32 $0xFFFFF086  }
0x25: {  	[simem:s6], [sflag:s4] =	dma.local [hbm:s3], $0xF7A  }
0x26: {  	[smem:$0x3F9A] =	sst s1;
	(tag) =	ssettag s2;
	_ =	strace s9  }
0x27: {  	s1 =	sld [smem:$0x3FAA]  }
0x28: {  	s2 =	sld [smem:$0x3FAB]  }
0x29: {  	s4 =	sld [smem:$0x3FAD]  }
0x2a: {  	p0 =	seq.s32 s5, $0x0;
	s5 =	sld [smem:$0x3FAE]  }
0x2b: {  	s6 =	sld [smem:$0x3FAF]  }
0x2c: {  	s7 =	sld [smem:$0x3FB0]  }
0x2d: {  	s3 =	simm.s32 $0x108;
	s8 =	sld [smem:$0x3FB1]  }
0x2e: {  	s3 =	simm.s32 @!p0 $0x1082;
	s9 =	sld [smem:$0x3FB2]  }
0x2f: {  	lr =	sadd.s32 s0, s3;
	s0 =	sld [smem:$0x3FA9]  }
0x30: {  	s3 =	sld [smem:$0x3FAC]  }
0x31: {  	[smem:$0x3FB5] =	sst s10  }
0x32: {  	s10 =	sld [smem:$0x3FB3];
	_ =	sdelay $0x3  }
0x33: {  	p0 =	seq.s32 s10, $0x1;
	s10 =	sld [smem:$0x3FB5];
	_ =	sdelay $0x3  }
0x34: {  	[smem:$0x3FB5] =	sst s10  }
0x35: {  	s10 =	sld [smem:$0x3FB4];
	_ =	sdelay $0x3  }
0x36: {  	p1 =	seq.s32 s10, $0x1;
	s10 =	sld [smem:$0x3FB5];
	_ =	sdelay $0x3  }
0x37: {  	[smem:$0x3FB5] =	sst s10  }
0x38: {  	s10 =	sld [smem:$0x3FB6]  }
0x39: {  	_ = 	snop;
	(pc) =	sbr.ind lr, $3  }
0x3a: {  	_ = 	snop  }
0x3b: {  	_ = 	snop  }
0x3c: {  	p2 =	seq.s32 s10, $0x1;
	s10 =	sld [smem:$0x3FB5]  }
0x3d: {  	_ =	shalt  }
0x3e: {  	_ =	shalt  }
0x3f: {  	_ =	shalt  }
0x40: {  	_ =	shalt  }
0x41: {  	_ =	shalt  }
0x42: {  	_ =	shalt  }
0x43: {  	_ =	shalt  }
0x44: {  	_ =	shalt  }
0x45: {  	_ =	shalt  }
0x46: {  	_ =	shalt  }
0x47: {  	_ =	shalt  }
0x48: {  	_ =	shalt  }
0x49: {  	_ =	shalt  }
0x4a: {  	_ =	shalt  }
0x4b: {  	_ =	shalt  }
0x4c: {  	_ =	shalt  }
0x4d: {  	_ =	shalt  }
0x4e: {  	_ =	shalt  }
0x4f: {  	_ =	shalt  }
0x50: {  	_ =	shalt  }
0x51: {  	_ =	shalt  }
0x52: {  	_ =	shalt  }
0x53: {  	_ =	shalt  }
0x54: {  	_ =	shalt  }
0x55: {  	_ =	shalt  }
0x56: {  	_ =	shalt  }
0x57: {  	_ =	shalt  }
0x58: {  	_ =	shalt  }
0x59: {  	_ =	shalt  }
0x5a: {  	_ =	shalt  }
0x5b: {  	_ =	shalt  }
0x5c: {  	_ =	shalt  }
0x5d: {  	_ =	shalt  }
0x5e: {  	_ =	shalt  }
0x5f: {  	_ =	shalt  }
0x60: {  	_ =	shalt  }
0x61: {  	_ =	shalt  }
0x62: {  	_ =	shalt  }
0x63: {  	_ =	shalt  }
0x64: {  	_ =	shalt  }
0x65: {  	_ =	shalt  }
0x66: {  	_ =	shalt  }
0x67: {  	_ =	shalt  }
0x68: {  	_ =	shalt  }
0x69: {  	_ =	shalt  }
0x6a: {  	_ =	shalt  }
0x6b: {  	_ =	shalt  }
0x6c: {  	_ =	shalt  }
0x6d: {  	_ =	shalt  }
0x6e: {  	_ =	shalt  }
0x6f: {  	_ =	shalt  }
0x70: {  	_ =	shalt  }
0x71: {  	_ =	shalt  }
0x72: {  	_ =	shalt  }
0x73: {  	_ =	shalt  }
0x74: {  	_ =	shalt  }
0x75: {  	_ =	shalt  }
0x76: {  	_ =	shalt  }
0x77: {  	_ =	shalt  }
0x78: {  	_ =	shalt  }
0x79: {  	_ =	shalt  }
0x7a: {  	_ =	shalt  }
0x7b: {  	_ =	shalt  }
0x7c: {  	_ =	shalt  }
0x7d: {  	_ =	shalt  }
0x7e: {  	_ =	shalt  }
0x7f: {  	_ =	shalt  }
0x80: {  	_ =	shalt  }
0x81: {  	_ =	shalt  }
0x82: {  	_ =	shalt  }
0x83: {  	_ =	shalt  }
0x84: {  	_ =	shalt  }
0x85: {  	_ =	shalt  }
0x86: {  	_ =	shalt  }
0x87: {  	_ =	shalt  }
.Lfunc_end0:
.L_simem_size_0:
called_computation_lowered:
.L_overlay_start_0:
0x88: {  	s2 =	sld [smem:$0x3FD9]  }
0x89: {  	s3 =	sld [smem:$0x3FFE];
	_ =	sdelay $0x1  }
0x8a: {  	s1 =	srdreg.scid  }
0x8b: {  	s0 =	sand.u32 $0x1, s1  }
0x8c: {  	s16 =	sshll.u32 s0, $0xA;
	s2 =	sadd.s32 s3, s2  }
0x8d: {  	s2 =	sadd.s32 s2, s16  }
0x8e: {  	[smem:$0x3FC1] =	sst s2  }
0x8f: {  	_ = 	snop  }
0x90: {  	(tm) =	ssettm $0x1  }
0x91: {  	s17 =	sld [smem:$0x3FFB];
	_ =	sdelay $0x3  }
0x92: {  	_ =	strace s17  }
0x93: {  	s2 =	sld [smem:$0x3FFC];
	_ =	sdelay $0x3  }
0x94: {  	_ =	strace s2  }
0x95: {  	s2 =	sld [smem:$0x3FFD];
	_ =	sdelay $0x3  }
0x96: {  	_ =	strace s2  }
0x97: {  	_ =	strace $0x8FFFFFFF  }
0x98: {  	s18 =	sld [smem:$0x3FDB];
	_ =	sdelay $0x1  }
0x99: {  	s19 =	simm.s32 $_scs_section_size  }
0x9a: {  	s4 =	simm.s32 $_size__tile_overlayer_lowered;
	s5 =	simm.s32 $_tile_overlayer_lowered  }
0x9b: {  	s22 =	simm.s32 $0x1BFF;
	s21 =	sshll.u32 s5, $0x1;
	s2 =	sadd.s32 s19, s18  }
0x9c: {  	s6 =	simm.s32 $0x0;
	s20 =	sshll.u32 s4, $0x1;
	s4 =	sadd.s32 s21, s2  }
0x9d: {  	[timem:s6], [sflag:s22] =	dma.local [hbm:s4], s20  }
0x9e: {  	_ =	swait.ge [sflag:s22], s20  }
0x9f: {  	s3 =	ssub.s32 $0x0, s20;
	[sflag:s22] =	ssyncset.done $0x0  }
0xa0: {  	[sflag:s22] =	ssyncadd.s32 s3;
	_ =	sdelay $0x1  }
0xa1: {  	s23 =	simm.s32 $0x1B8B  }
0xa2: {  	_ =	swait.ge [sflag:s23], $0x1  }
0xa3: {  	[sflag:s23] =	ssyncset.done $0x0  }
0xa4: {  	s25 =	simm.s32 $0x1B8E;
	s24 =	sld [smem:$0x3FFE];
	[sflag:s23] =	ssyncadd.s32 $0xFFFFFFFF  }
0xa5: {  	s26 =	simm.s32 $execute0_lowered;
	[smem:$0x3FD2] =	sst s25  }
0xa6: {  	s4 =	sshll.u32 s26, $0x1;
	_ =	strace $0x80000046;
	[dreg:$0x1] =	wrdreg $0xFFFFFFFF  }
0xa7: {  	s28 =	simm.s32 $_size_execute0_lowered;
	s2 =	sadd.s32 s2, s4;
	[dreg:$0x0] =	wrdreg $0x0  }
0xa8: {  	s4 =	sshll.u32 s28, $0x1;
	[dreg:$0x2] =	wrdreg s2  }
0xa9: {  	[dreg:$0x3] =	wrdreg s4  }
0xaa: {  	[dreg:$0x4] =	wrdreg $0xC0  }
0xab: {  	_ =	task [dreg:s6], $0x5FFFF  }
0xac: {  	[dreg:$0x1] =	wrdreg $0xFFFFFFFF  }
0xad: {  	[dreg:$0x0] =	wrdreg $0x60  }
0xae: {  	[dreg:$0x2] =	wrdreg s24  }
0xaf: {  	[dreg:$0x3] =	wrdreg $0x9  }
0xb0: {  	_ =	task.clear_ibuf [dreg:s6], $0x4FFFF;
	_ =	strace $0x90000046  }
0xb1: {  	s29 =	simm.s32 $0x9;
	_ =	strace $0x80000048  }
0xb2: {  	_ =	swait.ge [sflag:s29], $0x1  }
0xb3: {  	[sflag:s29] =	ssyncadd.s32 $0xFFFFFFFF  }
0xb4: {  	_ =	strace $0x90000048  }
0xb5: {  	_ =	sfence  }
0xb6: {  	s30 =	sld [smem:$0x0];
	_ =	sdelay $0x2  }
0xb7: {  	s31 =	sshll.u32 s1, $0xD;
	s1 =	sshrl.u32 s1, $0x2  }
0xb8: {  	s3 =	sand.u32 $0x4000, s31;
	s1 =	sadd.s32 s1, s30  }
0xb9: {  	s0 =	sor.u32 s3, s0;
	s1 =	sshll.u32 s1, $0x11  }
0xba: {  	s0 =	sor.u32 s1, s0  }
0xbb: {  	s0 =	sadd.s32 $0x8F2B, s0  }
0xbc: {  	[sflag:s0] =	ssyncadd.remote.s32 $0x1  }
0xbd: {  	_ =	sfence.sel $0xFFFF  }
0xbe: {  	[dreg:$0x0] =	wrdreg $0xFFFFFFFF;
	(pc) =	sbr.abs _section_cstart, $3  }
0xbf: {  	[dreg:$0x1] =	wrdreg $0xFFFFFFFF  }
0xc0: {  	_ =	task.clear_ibuf [dreg:s6], $0x2FFFF;
	_ =	strace $0x9FFFFFFF  }
0xc1: {  	(tm) =	ssettm $0x7FFFFFFF  }
tec
execute0_lowered:
.L_overlay_start_1:
0x0: {  	(tag) =	ssettag $0x1  }
0x1: {  	s1 =	srdreg.scid  }
0x2: {  	s0 =	stileid.u32;
	s4 =	rddreg [dreg:$0x0];
	s2 =	simm.s32 $0x0  }
0x3: {  	s7 =	simm.s32 $0x3;
	s8 =	simm.s32 $0x80;
	s9 =	simm.s32 $0x1  }
0x4: {  	s10 =	simm.s32 $0x2;
	s3 =	sand.u32 $0x1, s1;
	s5 =	sshll.u32 s0, $0x1  }
0x5: {  	s11 =	simm.s32 $0x0;
	s15 =	simm.s32 $0x0;
	s5 =	sor.u32 s3, s5  }
0x6: {  	[smem:$0x7FF] =	sst s2;
	s6 =	ssub.s32 $0x2, s3;
	s5 =	smul.u32 $0x680, s5  }
0x7: {  	s1 =	rddreg [dreg:$0x1];
	_ =	strace $0x80000047;
	s31 =	sshrl.u32 s6, $0x1  }
0x8: {  	s3 =	sadd.s32 $0x1C00, s4;
	s6 =	ssub.s32 s6, s31;
	s5 =	sadd.s32 s5, s4  }
0x9: {  	s6 =	smax.u32 s6, $0x1;
	s4 =	sadd.s32 $0x51200, s5;
	s5 =	sadd.s32 $0x5E200, s5  }
.LBB2_1:
0xa: {  	s12 =	sadd.s32 $0x0, s4  }
0xb: {  	[tilespmem:s2], [sflag:$0x3] =	stream.linear.gather [hbm4b:s12+s2], $0x80, $0x38;
	[tilespmem:$0x6800] =	vst v63  }
0xc: {  	s13 =	simm.s32 $0x0;
	s12 =	simm.s32 $0x10  }
.LBB2_2:
0xd: {  	p0 =	sne.s32 s12, $0x670  }
.Ltmp0:
0xe: {  	_ = 	snop;
	(pc) =	sbr.rel @p0 .LBB2_2-.Ltmp0, $4  }
0xf: {  	_ = 	snop  }
0x10: {  	s14 =	sadd.s32 s12, s4;
	s13 =	sadd.s32 $0x80, s13  }
0x11: {  	s12 =	sadd.s32 $0x10, s12  }
0x12: {  	[tilespmem:s13], [sflag:$0x3] =	stream.linear.gather [hbm4b:s14+s15], $0x80, $0x38;
	[tilespmem:$0x6800] =	vst v63  }
0x13: {  	_ =	swait.ge [sflag:s7], $0x80  }
0x14: {  	s12 =	simm.s32 $0x200;
	[sflag:s7] =	ssyncset.done $0x0  }
0x15: {  	s13 =	simm.s32 $0x0;
	s14 =	simm.s32 $0x3400;
	[sflag:s7] =	ssyncadd.s32 $0xFFFFFF80  }
.LBB2_4:
0x16: {  	[tilespmem:s14], [sflag:$0x1] =	stream.indirect.gather [hbm4b:s3+s8], $0x1, s13, s8, $0xb8;
	[tilespmem:$0x6800] =	vst v63  }
0x17: {  	s13 =	smov.u32 s12;
	p0 =	sne.s32 s12, $0xCE00  }
.Ltmp1:
0x18: {  	s12 =	sadd.s32 $0x200, s12;
	(pc) =	sbr.rel @p0 .LBB2_4-.Ltmp1, $4  }
0x19: {  	_ = 	snop  }
0x1a: {  	_ =	swait.ge [sflag:s7], $0x80  }
0x1b: {  	s13 =	sshra.s32 s13, $0x2;
	[sflag:s7] =	ssyncset.done $0x0  }
0x1c: {  	s14 =	sadd.s32 $0x3400, s13;
	[sflag:s7] =	ssyncadd.s32 $0xFFFFFF80  }
0x1d: {  	[tilespmem:s14], [sflag:$0x1] =	stream.indirect.gather [hbm4b:s3+s8], $0x1, s13, s8, $0xb8;
	[tilespmem:$0x6800] =	vst v63  }
0x1e: {  	_ =	swait.ge [sflag:s9], $0x80  }
0x1f: {  	s12 =	simm.s32 $0x3400;
	[sflag:s9] =	ssyncset.done $0x0  }
0x20: {  	s31 =	sadd.s32 $0x0, s5;
	s13 =	simm.s32 $0x10;
	[sflag:s9] =	ssyncadd.s32 $0xFFFFFF80  }
0x21: {  	[hbm4b:s31+s2] =	stream.linear.scatter [tilespmem:s12], [sflag:$0x2], $0x80, $0x38;
	[tilespmem:$0x6800] =	vst v63  }
.LBB2_6:
0x22: {  	_ =	swait.ge [sflag:s9], $0x80;
	p0 =	sne.s32 s13, $0x670  }
.Ltmp2:
0x23: {  	(pc) =	sbr.rel @p0 .LBB2_6-.Ltmp2, $4  }
0x24: {  	_ = 	snop  }
0x25: {  	s14 =	sadd.s32 s13, s5;
	s12 =	sadd.s32 $0x80, s12;
	[sflag:s9] =	ssyncset.done $0x0  }
0x26: {  	s13 =	sadd.s32 $0x10, s13;
	[sflag:s9] =	ssyncadd.s32 $0xFFFFFF80  }
0x27: {  	[hbm4b:s14+s2] =	stream.linear.scatter [tilespmem:s12], [sflag:$0x2], $0x80, $0x38;
	[tilespmem:$0x6800] =	vst v63  }
0x28: {  	_ =	swait.ge [sflag:s10], $0x80  }
0x29: {  	s12 =	simm.s32 $0x67;
	[sflag:s10] =	ssyncset.done $0x0  }
.LBB2_8:
0x2a: {  	p0 =	sne.s32 s12, $0x1;
	s12 =	sadd.s32 $0xFFFFFFFF, s12;
	[sflag:s10] =	ssyncadd.s32 $0xFFFFFF80  }
.Ltmp3:
0x2b: {  	(pc) =	sbr.rel @p0 .LBB2_8-.Ltmp3, $3  }
0x2c: {  	_ =	sdelay $0x1  }
0x2d: {  	_ =	swait.ge [sflag:s10], $0x80  }
0x2e: {  	[sflag:s10] =	ssyncset.done $0x0  }
0x2f: {  	s11 =	sadd.s32 $0x1, s11  }
0x30: {  	p0 =	sne.s32 s11, s6  }
.Ltmp4:
0x31: {  	_ = 	snop;
	(pc) =	sbr.rel @p0 .LBB2_1-.Ltmp4, $2  }
0x32: {  	_ =	sdelay $0x2  }
0x33: {  	[sflag:s10] =	ssyncadd.s32 $0xFFFFFF80  }
0x34: {  	_ =	sfence.sel $0x180000  }
0x35: {  	[bflag:$0x0] =	sbarrier.arrive $0xFFFF  }
0x36: {  	p0 =	sne.s32 s0, $0x0;
	_ =	strace $0x90000047  }
0x37: {  	s0 =	sadd.s32 @!p0 $0x100000, s1;
	[bflag:$0x2] =	sbarrier.arrive $0xFFFF  }
0x38: {  	[sflag:s0] =	ssyncadd.tile.s32 @!p0 $0x1;
	_ =	shalt  }
.Lfunc_end2:
_tile_overlayer_lowered:
.L_overlay_start_2:
0x39: {  	(tag) =	ssettag $0x2  }
0x3a: {  	s0 =	rddreg [dreg:$0x0];
	s2 =	stileid.u32  }
0x3b: {  	s1 =	rddreg [dreg:$0x1];
	p0 =	sne.s32 s2, $0x0  }
0x3c: {  	s3 =	rddreg [dreg:$0x2];
	[bflag:$0x3] =	sbarrier.arrive $0xFFFF;
	s2 =	simm.s32 @!p0 $0x1C04  }
0x3d: {  	[timem:s3], [sflag:s2] =	dma.local @!p0 [hbm:s0], s1  }
0x3e: {  	s0 =	simm.s32 @!p0 $0x4  }
0x3f: {  	_ =	swait.ge @!p0 [sflag:s0], s1  }
0x40: {  	s1 =	ssub.s32 @!p0 $0x0, s1;
	[sflag:s0] =	ssyncset.done @!p0 $0x0  }
0x41: {  	[sflag:s0] =	ssyncadd.s32 @!p0 s1  }
0x42: {  	[bflag:$0x3] =	sbarrier.arrive $0xFFFF  }
0x43: {  	_ =	shalt  }

// kernel: kernel.8.cloned.1.call-start
scs
__scs_entry_jumppad:
0x0: {  	(pc) =	sbr.rel $0x88, $3  }
0x1: {  	(tag) =	ssettag $0x0;
	lr =	simm.s32 $0x1  }
0x2: {  	[smem:$0x3F9A] =	sst lr;
	_ =	strace $0xD0000000  }
0x3: {  	_ = 	snop  }
0x4: {  	_ = 	snop  }
0x5: {  	_ = 	snop  }
0x6: {  	_ = 	snop  }
0x7: {  	_ = 	snop  }
__scs_overlays_trampoline_lowered:
0x8: {  	[smem:$0x3FA9] =	sst s0  }
0x9: {  	[smem:$0x3FAA] =	sst s1  }
0xa: {  	[smem:$0x3FAB] =	sst s2  }
0xb: {  	[smem:$0x3FAC] =	sst s3  }
0xc: {  	[smem:$0x3FAD] =	sst s4  }
0xd: {  	[smem:$0x3FAE] =	sst s5  }
0xe: {  	[smem:$0x3FAF] =	sst s6  }
0xf: {  	[smem:$0x3FB0] =	sst s7  }
0x10: {  	[smem:$0x3FB1] =	sst s8  }
0x11: {  	[smem:$0x3FB2] =	sst s9;
	s0 =	simm.s32 @!p0 $0x0  }
0x12: {  	s1 =	sld [smem:$0x3F98];
	s0 =	simm.s32 @p0 $0x1  }
0x13: {  	[smem:$0x3FB3] =	sst s0;
	s0 =	simm.s32 @!p1 $0x0  }
0x14: {  	s2 =	sld [smem:$0x3F97];
	s0 =	simm.s32 @p1 $0x1  }
0x15: {  	[smem:$0x3FB4] =	sst s0;
	s0 =	simm.s32 @!p2 $0x0  }
0x16: {  	s3 =	sld [smem:$0x3FDB];
	s0 =	simm.s32 @p2 $0x1  }
0x17: {  	s4 =	simm.s32 $0x1BF5;
	[smem:$0x3FB6] =	sst s0  }
0x18: {  	s0 =	sld [smem:$0x3F99];
	_ =	swait.ge [sflag:s4], $0x0  }
0x19: {  	s7 =	sld [smem:$0x3F9A]  }
0x1a: {  	s8 =	sadd.s32 $0xFFFFE003, lr  }
0x1b: {  	s9 =	sadd.s32 $0xFFFFFEF7, lr;
	s5 =	simm.s32 $0xFFFFFFFF;
	p2 =	slt.u32 s8, $0xFFFFF086  }
0x1c: {  	p1 =	slt.u32 s9, $0xF7A;
	s5 =	simm.s32 @!p2 $0x0  }
0x1d: {  	s5 =	simm.s32 @p1 $0x1;
	p0 =	seq.s32 s7, s2  }
0x1e: {  	s7 =	smul.u32 @!p0 $0xF7A, s2;
	p2 =	seq.s32 @!p0 s5, $0x0  }
0x1f: {  	s9 =	smul.u32 $0xF7A, s1;
	s8 =	simm.s32 @!p0 $0x1BF5;
	p2 =	por !p2, p0  }
0x20: {  	[sflag:s8] =	ssyncset.s32 @!p0 $0xFFFFF086;
	s6 =	sadd.s32 @!p0 s3, s7;
	s7 =	simm.s32 @!p0 $0x108  }
0x21: {  	s3 =	sadd.s32 s3, s9;
	s6 =	sadd.s32 @!p0 $0x88, s6;
	s7 =	simm.s32 @p2 $0x1082  }
0x22: {  	[simem:s7], [sflag:s8] =	dma.local @!p0 [hbm:s6], $0xF7A  }
0x23: {  	s9 =	sor.u32 $0xD0000000, s2;
	s6 =	simm.s32 $0x108;
	_ =	swait.ge @!p0 [sflag:s8], $0x0  }
0x24: {  	s3 =	sadd.s32 $0x88, s3;
	s6 =	simm.s32 @!p1 $0x1082;
	[sflag:s4] =	ssyncset.s32 $0xFFFFF086  }
0x25: {  	[simem:s6], [sflag:s4] =	dma.local [hbm:s3], $0xF7A  }
0x26: {  	[smem:$0x3F9A] =	sst s1;
	(tag) =	ssettag s2;
	_ =	strace s9  }
0x27: {  	s1 =	sld [smem:$0x3FAA]  }
0x28: {  	s2 =	sld [smem:$0x3FAB]  }
0x29: {  	s4 =	sld [smem:$0x3FAD]  }
0x2a: {  	p0 =	seq.s32 s5, $0x0;
	s5 =	sld [smem:$0x3FAE]  }
0x2b: {  	s6 =	sld [smem:$0x3FAF]  }
0x2c: {  	s7 =	sld [smem:$0x3FB0]  }
0x2d: {  	s3 =	simm.s32 $0x108;
	s8 =	sld [smem:$0x3FB1]  }
0x2e: {  	s3 =	simm.s32 @!p0 $0x1082;
	s9 =	sld [smem:$0x3FB2]  }
0x2f: {  	lr =	sadd.s32 s0, s3;
	s0 =	sld [smem:$0x3FA9]  }
0x30: {  	s3 =	sld [smem:$0x3FAC]  }
0x31: {  	[smem:$0x3FB5] =	sst s10  }
0x32: {  	s10 =	sld [smem:$0x3FB3];
	_ =	sdelay $0x3  }
0x33: {  	p0 =	seq.s32 s10, $0x1;
	s10 =	sld [smem:$0x3FB5];
	_ =	sdelay $0x3  }
0x34: {  	[smem:$0x3FB5] =	sst s10  }
0x35: {  	s10 =	sld [smem:$0x3FB4];
	_ =	sdelay $0x3  }
0x36: {  	p1 =	seq.s32 s10, $0x1;
	s10 =	sld [smem:$0x3FB5];
	_ =	sdelay $0x3  }
0x37: {  	[smem:$0x3FB5] =	sst s10  }
0x38: {  	s10 =	sld [smem:$0x3FB6]  }
0x39: {  	_ = 	snop;
	(pc) =	sbr.ind lr, $3  }
0x3a: {  	_ = 	snop  }
0x3b: {  	_ = 	snop  }
0x3c: {  	p2 =	seq.s32 s10, $0x1;
	s10 =	sld [smem:$0x3FB5]  }
0x3d: {  	_ =	shalt  }
0x3e: {  	_ =	shalt  }
0x3f: {  	_ =	shalt  }
0x40: {  	_ =	shalt  }
0x41: {  	_ =	shalt  }
0x42: {  	_ =	shalt  }
0x43: {  	_ =	shalt  }
0x44: {  	_ =	shalt  }
0x45: {  	_ =	shalt  }
0x46: {  	_ =	shalt  }
0x47: {  	_ =	shalt  }
0x48: {  	_ =	shalt  }
0x49: {  	_ =	shalt  }
0x4a: {  	_ =	shalt  }
0x4b: {  	_ =	shalt  }
0x4c: {  	_ =	shalt  }
0x4d: {  	_ =	shalt  }
0x4e: {  	_ =	shalt  }
0x4f: {  	_ =	shalt  }
0x50: {  	_ =	shalt  }
0x51: {  	_ =	shalt  }
0x52: {  	_ =	shalt  }
0x53: {  	_ =	shalt  }
0x54: {  	_ =	shalt  }
0x55: {  	_ =	shalt  }
0x56: {  	_ =	shalt  }
0x57: {  	_ =	shalt  }
0x58: {  	_ =	shalt  }
0x59: {  	_ =	shalt  }
0x5a: {  	_ =	shalt  }
0x5b: {  	_ =	shalt  }
0x5c: {  	_ =	shalt  }
0x5d: {  	_ =	shalt  }
0x5e: {  	_ =	shalt  }
0x5f: {  	_ =	shalt  }
0x60: {  	_ =	shalt  }
0x61: {  	_ =	shalt  }
0x62: {  	_ =	shalt  }
0x63: {  	_ =	shalt  }
0x64: {  	_ =	shalt  }
0x65: {  	_ =	shalt  }
0x66: {  	_ =	shalt  }
0x67: {  	_ =	shalt  }
0x68: {  	_ =	shalt  }
0x69: {  	_ =	shalt  }
0x6a: {  	_ =	shalt  }
0x6b: {  	_ =	shalt  }
0x6c: {  	_ =	shalt  }
0x6d: {  	_ =	shalt  }
0x6e: {  	_ =	shalt  }
0x6f: {  	_ =	shalt  }
0x70: {  	_ =	shalt  }
0x71: {  	_ =	shalt  }
0x72: {  	_ =	shalt  }
0x73: {  	_ =	shalt  }
0x74: {  	_ =	shalt  }
0x75: {  	_ =	shalt  }
0x76: {  	_ =	shalt  }
0x77: {  	_ =	shalt  }
0x78: {  	_ =	shalt  }
0x79: {  	_ =	shalt  }
0x7a: {  	_ =	shalt  }
0x7b: {  	_ =	shalt  }
0x7c: {  	_ =	shalt  }
0x7d: {  	_ =	shalt  }
0x7e: {  	_ =	shalt  }
0x7f: {  	_ =	shalt  }
0x80: {  	_ =	shalt  }
0x81: {  	_ =	shalt  }
0x82: {  	_ =	shalt  }
0x83: {  	_ =	shalt  }
0x84: {  	_ =	shalt  }
0x85: {  	_ =	shalt  }
0x86: {  	_ =	shalt  }
0x87: {  	_ =	shalt  }
.Lfunc_end0:
.L_simem_size_0:
called_computation.1_lowered:
.L_overlay_start_0:
0x88: {  	s2 =	sld [smem:$0x3FD9]  }
0x89: {  	s3 =	sld [smem:$0x3FFE];
	_ =	sdelay $0x1  }
0x8a: {  	s1 =	srdreg.scid  }
0x8b: {  	s0 =	sand.u32 $0x1, s1  }
0x8c: {  	s17 =	sshll.u32 s0, $0xA;
	s2 =	sadd.s32 s3, s2  }
0x8d: {  	s2 =	sadd.s32 s2, s17  }
0x8e: {  	[smem:$0x3FC1] =	sst s2  }
0x8f: {  	_ = 	snop  }
0x90: {  	(tm) =	ssettm $0x1  }
0x91: {  	s18 =	sld [smem:$0x3FFB];
	_ =	sdelay $0x3  }
0x92: {  	_ =	strace s18  }
0x93: {  	s2 =	sld [smem:$0x3FFC];
	_ =	sdelay $0x3  }
0x94: {  	_ =	strace s2  }
0x95: {  	s2 =	sld [smem:$0x3FFD];
	_ =	sdelay $0x3  }
0x96: {  	_ =	strace s2  }
0x97: {  	_ =	strace $0x8FFFFFFF  }
0x98: {  	s19 =	sld [smem:$0x3FDB];
	_ =	sdelay $0x1  }
0x99: {  	s20 =	simm.s32 $_scs_section_size  }
0x9a: {  	s4 =	simm.s32 $_size__tile_overlayer_lowered;
	s5 =	simm.s32 $_tile_overlayer_lowered  }
0x9b: {  	s6 =	simm.s32 $0x1BFF;
	s21 =	sshll.u32 s5, $0x1;
	s3 =	sadd.s32 s20, s19  }
0x9c: {  	s22 =	simm.s32 $0x0;
	s4 =	sshll.u32 s4, $0x1;
	s5 =	sadd.s32 s21, s3  }
0x9d: {  	[timem:s22], [sflag:s6] =	dma.local [hbm:s5], s4  }
0x9e: {  	_ =	swait.ge [sflag:s6], s4  }
0x9f: {  	s4 =	ssub.s32 $0x0, s4;
	[sflag:s6] =	ssyncset.done $0x0  }
0xa0: {  	[sflag:s6] =	ssyncadd.s32 s4;
	_ =	sdelay $0x1  }
0xa1: {  	s23 =	simm.s32 $0x1B8B  }
0xa2: {  	_ =	swait.ge [sflag:s23], $0x1  }
0xa3: {  	[sflag:s23] =	ssyncset.done $0x0  }
0xa4: {  	[sflag:s23] =	ssyncadd.s32 $0xFFFFFFFF  }
0xa5: {  	s4 =	sld [smem:$0x0]  }
0xa6: {  	s5 =	sand.u32 $0xFFFFFFFE, s1  }
0xa7: {  	p0 =	sne.s32 s1, s5  }
0xa8: {  	s5 =	sshll.u32 @p0 s5, $0xE  }
0xa9: {  	s5 =	sadd.s32 @p0 $0x11B8D, s5;
	s6 =	sshll.u32 @p0 s4, $0x11  }
0xaa: {  	s5 =	sor.u32 @p0 s6, s5  }
0xab: {  	[sflag:s5] =	ssyncadd.remote.s32 @p0 $0x1;
	_ =	sdelay $0x1  }
0xac: {  	s5 =	simm.s32 @p0 $0x1B8D  }
0xad: {  	_ =	swait.eq @p0 [sflag:s5], $0x1  }
0xae: {  	[sflag:s5] =	ssyncadd.s32 @p0 $0xFFFFFFFF  }
0xaf: {  	s6 =	sshll.u32 @!p0 s1, $0xE  }
0xb0: {  	s6 =	sor.u32 @!p0 $0x4000, s6;
	s5 =	simm.s32 @!p0 $0x1B8D  }
0xb1: {  	s4 =	sshll.u32 @!p0 s4, $0x11;
	s6 =	sadd.s32 @!p0 $0x11B8D, s6;
	_ =	swait.eq @!p0 [sflag:s5], $0x1  }
0xb2: {  	s4 =	sor.u32 @!p0 s4, s6;
	[sflag:s5] =	ssyncadd.s32 @!p0 $0xFFFFFFFF  }
0xb3: {  	s25 =	simm.s32 $0x1B8E;
	s24 =	sld [smem:$0x3FFE];
	[sflag:s4] =	ssyncadd.remote.s32 @!p0 $0x1  }
0xb4: {  	s26 =	simm.s32 $execute0_lowered;
	[smem:$0x3FD2] =	sst s25  }
0xb5: {  	s5 =	sshll.u32 s26, $0x1;
	_ =	strace $0x80000049;
	[dreg:$0x1] =	wrdreg $0xFFFFFFFF  }
0xb6: {  	s28 =	simm.s32 $_size_execute0_lowered;
	s3 =	sadd.s32 s3, s5;
	[dreg:$0x0] =	wrdreg $0x0  }
0xb7: {  	s5 =	sshll.u32 s28, $0x1;
	[dreg:$0x2] =	wrdreg s3  }
0xb8: {  	[dreg:$0x3] =	wrdreg s5  }
0xb9: {  	[dreg:$0x4] =	wrdreg $0xC0  }
0xba: {  	_ =	task [dreg:s22], $0x5FFFF  }
0xbb: {  	[dreg:$0x1] =	wrdreg $0xFFFFFFFF  }
0xbc: {  	[dreg:$0x0] =	wrdreg $0x60  }
0xbd: {  	[dreg:$0x2] =	wrdreg s24  }
0xbe: {  	[dreg:$0x3] =	wrdreg $0xA  }
0xbf: {  	_ =	task.clear_ibuf [dreg:s22], $0x4FFFF;
	_ =	strace $0x90000049  }
0xc0: {  	s29 =	simm.s32 $0xA;
	_ =	strace $0x8000004B  }
0xc1: {  	_ =	swait.ge [sflag:s29], $0x1  }
0xc2: {  	[sflag:s29] =	ssyncadd.s32 $0xFFFFFFFF  }
0xc3: {  	_ =	strace $0x9000004B  }
0xc4: {  	_ =	sfence  }
0xc5: {  	s30 =	sld [smem:$0x0];
	_ =	sdelay $0x2  }
0xc6: {  	s31 =	sshll.u32 s1, $0xD;
	s1 =	sshrl.u32 s1, $0x2  }
0xc7: {  	s4 =	sand.u32 $0x4000, s31;
	s1 =	sadd.s32 s1, s30  }
0xc8: {  	s0 =	sor.u32 s4, s0;
	s1 =	sshll.u32 s1, $0x11  }
0xc9: {  	s0 =	sor.u32 s1, s0  }
0xca: {  	s0 =	sadd.s32 $0x8F2B, s0  }
0xcb: {  	[sflag:s0] =	ssyncadd.remote.s32 $0x1  }
0xcc: {  	_ =	sfence.sel $0xFFFF  }
0xcd: {  	[dreg:$0x0] =	wrdreg $0xFFFFFFFF;
	(pc) =	sbr.abs _section_cstart, $3  }
0xce: {  	[dreg:$0x1] =	wrdreg $0xFFFFFFFF  }
0xcf: {  	_ =	task.clear_ibuf [dreg:s22], $0x2FFFF;
	_ =	strace $0x9FFFFFFF  }
0xd0: {  	(tm) =	ssettm $0x7FFFFFFF  }
0xd1: {  	_ =	shalt  }
tec
execute0_lowered:
.L_overlay_start_1:
0x0: {  	(tag) =	ssettag $0x1  }
0x1: {  	s1 =	srdreg.scid  }
0x2: {  	s0 =	stileid.u32;
	s4 =	rddreg [dreg:$0x0];
	s2 =	simm.s32 $0x0  }
0x3: {  	s7 =	simm.s32 $0x3;
	s8 =	simm.s32 $0x80;
	s9 =	simm.s32 $0x1  }
0x4: {  	s10 =	simm.s32 $0x2;
	s3 =	sand.u32 $0x1, s1;
	s5 =	sshll.u32 s0, $0x1  }
0x5: {  	s11 =	simm.s32 $0x0;
	s15 =	simm.s32 $0x0;
	s5 =	sor.u32 s3, s5  }
0x6: {  	[smem:$0x7FF] =	sst s2;
	s6 =	ssub.s32 $0x2, s3;
	s5 =	smul.u32 $0x680, s5  }
0x7: {  	s1 =	rddreg [dreg:$0x1];
	_ =	strace $0x8000004A;
	s31 =	sshrl.u32 s6, $0x1  }
0x8: {  	s3 =	sadd.s32 $0x6B200, s4;
	s6 =	ssub.s32 s6, s31;
	s5 =	sadd.s32 s5, s4  }
0x9: {  	s6 =	smax.u32 s6, $0x1;
	s4 =	sadd.s32 $0xBA800, s5;
	s5 =	sadd.s32 $0xC7800, s5  }
.LBB2_1:
0xa: {  	s12 =	sadd.s32 $0x0, s4  }
0xb: {  	[tilespmem:s2], [sflag:$0x3] =	stream.linear.gather [hbm4b:s12+s2], $0x80, $0x38;
	[tilespmem:$0x6800] =	vst v63  }
0xc: {  	s13 =	simm.s32 $0x0;
	s12 =	simm.s32 $0x10  }
.LBB2_2:
0xd: {  	p0 =	sne.s32 s12, $0x670  }
.Ltmp0:
0xe: {  	_ = 	snop;
	(pc) =	sbr.rel @p0 .LBB2_2-.Ltmp0, $4  }
0xf: {  	_ = 	snop  }
0x10: {  	s14 =	sadd.s32 s12, s4;
	s13 =	sadd.s32 $0x80, s13  }
0x11: {  	s12 =	sadd.s32 $0x10, s12  }
0x12: {  	[tilespmem:s13], [sflag:$0x3] =	stream.linear.gather [hbm4b:s14+s15], $0x80, $0x38;
	[tilespmem:$0x6800] =	vst v63  }
0x13: {  	_ =	swait.ge [sflag:s7], $0x80  }
0x14: {  	s12 =	simm.s32 $0x200;
	[sflag:s7] =	ssyncset.done $0x0  }
0x15: {  	s13 =	simm.s32 $0x0;
	s14 =	simm.s32 $0x3400;
	[sflag:s7] =	ssyncadd.s32 $0xFFFFFF80  }
.LBB2_4:
0x16: {  	[tilespmem:s14], [sflag:$0x1] =	stream.indirect.gather [hbm4b:s3+s8], $0x1, s13, s8, $0xb8;
	[tilespmem:$0x6800] =	vst v63  }
0x17: {  	s13 =	smov.u32 s12;
	p0 =	sne.s32 s12, $0xCE00  }
.Ltmp1:
0x18: {  	s12 =	sadd.s32 $0x200, s12;
	(pc) =	sbr.rel @p0 .LBB2_4-.Ltmp1, $4  }
0x19: {  	_ = 	snop  }
0x1a: {  	_ =	swait.ge [sflag:s7], $0x80  }
0x1b: {  	s13 =	sshra.s32 s13, $0x2;
	[sflag:s7] =	ssyncset.done $0x0  }
0x1c: {  	s14 =	sadd.s32 $0x3400, s13;
	[sflag:s7] =	ssyncadd.s32 $0xFFFFFF80  }
0x1d: {  	[tilespmem:s14], [sflag:$0x1] =	stream.indirect.gather [hbm4b:s3+s8], $0x1, s13, s8, $0xb8;
	[tilespmem:$0x6800] =	vst v63  }
0x1e: {  	_ =	swait.ge [sflag:s9], $0x80  }
0x1f: {  	s12 =	simm.s32 $0x3400;
	[sflag:s9] =	ssyncset.done $0x0  }
0x20: {  	s31 =	sadd.s32 $0x0, s5;
	s13 =	simm.s32 $0x10;
	[sflag:s9] =	ssyncadd.s32 $0xFFFFFF80  }
0x21: {  	[hbm4b:s31+s2] =	stream.linear.scatter [tilespmem:s12], [sflag:$0x2], $0x80, $0x38;
	[tilespmem:$0x6800] =	vst v63  }
.LBB2_6:
0x22: {  	_ =	swait.ge [sflag:s9], $0x80;
	p0 =	sne.s32 s13, $0x670  }
.Ltmp2:
0x23: {  	(pc) =	sbr.rel @p0 .LBB2_6-.Ltmp2, $4  }
0x24: {  	_ = 	snop  }
0x25: {  	s14 =	sadd.s32 s13, s5;
	s12 =	sadd.s32 $0x80, s12;
	[sflag:s9] =	ssyncset.done $0x0  }
0x26: {  	s13 =	sadd.s32 $0x10, s13;
	[sflag:s9] =	ssyncadd.s32 $0xFFFFFF80  }
0x27: {  	[hbm4b:s14+s2] =	stream.linear.scatter [tilespmem:s12], [sflag:$0x2], $0x80, $0x38;
	[tilespmem:$0x6800] =	vst v63  }
0x28: {  	_ =	swait.ge [sflag:s10], $0x80  }
0x29: {  	s12 =	simm.s32 $0x67;
	[sflag:s10] =	ssyncset.done $0x0  }
.LBB2_8:
0x2a: {  	p0 =	sne.s32 s12, $0x1;
	s12 =	sadd.s32 $0xFFFFFFFF, s12;
	[sflag:s10] =	ssyncadd.s32 $0xFFFFFF80  }
.Ltmp3:
0x2b: {  	(pc) =	sbr.rel @p0 .LBB2_8-.Ltmp3, $3  }
0x2c: {  	_ =	sdelay $0x1  }
0x2d: {  	_ =	swait.ge [sflag:s10], $0x80  }
0x2e: {  	[sflag:s10] =	ssyncset.done $0x0  }
0x2f: {  	s11 =	sadd.s32 $0x1, s11  }
0x30: {  	p0 =	sne.s32 s11, s6  }
.Ltmp4:
0x31: {  	_ = 	snop;
	(pc) =	sbr.rel @p0 .LBB2_1-.Ltmp4, $2  }
0x32: {  	_ =	sdelay $0x2  }
0x33: {  	[sflag:s10] =	ssyncadd.s32 $0xFFFFFF80  }
0x34: {  	_ =	sfence.sel $0x180000  }
0x35: {  	[bflag:$0x0] =	sbarrier.arrive $0xFFFF  }
0x36: {  	p0 =	sne.s32 s0, $0x0;
	_ =	strace $0x9000004A  }
0x37: {  	s0 =	sadd.s32 @!p0 $0x100000, s1;
	[bflag:$0x2] =	sbarrier.arrive $0xFFFF  }
0x38: {  	[sflag:s0] =	ssyncadd.tile.s32 @!p0 $0x1;
	_ =	shalt  }
.Lfunc_end2:
_tile_overlayer_lowered:
.L_overlay_start_2:
0x39: {  	(tag) =	ssettag $0x2  }
0x3a: {  	s0 =	rddreg [dreg:$0x0];
	s2 =	stileid.u32  }
0x3b: {  	s1 =	rddreg [dreg:$0x1];
	p0 =	sne.s32 s2, $0x0  }
0x3c: {  	s3 =	rddreg [dreg:$0x2];
	[bflag:$0x3] =	sbarrier.arrive $0xFFFF;
	s2 =	simm.s32 @!p0 $0x1C04  }
0x3d: {  	[timem:s3], [sflag:s2] =	dma.local @!p0 [hbm:s0], s1  }
0x3e: {  	s0 =	simm.s32 @!p0 $0x4  }
0x3f: {  	_ =	swait.ge @!p0 [sflag:s0], s1  }
0x40: {  	s1 =	ssub.s32 @!p0 $0x0, s1;
	[sflag:s0] =	ssyncset.done @!p0 $0x0  }
0x41: {  	[sflag:s0] =	ssyncadd.s32 @!p0 s1  }
0x42: {  	[bflag:$0x3] =	sbarrier.arrive $0xFFFF  }
0x43: {  	_ =	shalt  }

</sc_bundles>
